<compile_context>
chip_gen: v7x
topology: tpu7x:2x2x1
jax: 0.10.2.dev20260603
libtpu: 0.0.44.dev20260713+nightly
codegen_flags: <defaults>
</compile_context>

<pallas_src>
import functools

import jax
import jax.numpy as jnp
from jax import lax
from jax.experimental import pallas as pl
from jax.experimental.pallas import tpu as pltpu
from jax.experimental.pallas import tpu_sc as plsc

F32 = jnp.float32


def _bf(v):
    return v.astype(jnp.bfloat16).astype(F32)


def _sc_gather(table, idxp):
    info = plsc.get_sparse_core_info()
    nc, ns = info.num_cores, info.num_subcores
    nw = nc * ns
    bpw = 256 // nw
    mesh = plsc.VectorSubcoreMesh(core_axis_name="c", subcore_axis_name="s")

    @functools.partial(
        pl.kernel, mesh=mesh,
        out_type=jax.ShapeDtypeStruct((256, 512), F32),
        scratch_types=[
            pltpu.VMEM((bpw,), jnp.int32),
            pltpu.VMEM((bpw, 512), F32),
            pltpu.SemaphoreType.DMA,
        ],
    )
    def k(table_hbm, idx_hbm, out_hbm, idx_v, rows_v, sem):
        wid = lax.axis_index("s") * nc + lax.axis_index("c")
        base = wid * bpw
        pltpu.sync_copy(idx_hbm.at[pl.ds(base, bpw)], idx_v)
        pltpu.async_copy(table_hbm.at[idx_v], rows_v, sem).wait()
        pltpu.sync_copy(rows_v, out_hbm.at[pl.ds(base, bpw)])

    return k(table, idxp)


def _lstm_body(x_ref, wihf_ref, wihb_ref, bcat_ref, whhf_ref, whhb_ref,
               wfu_ref, bfu_ref, wfe_ref, bfe_ref,
               q_ref, gb_ref, gb2_ref, xw_ref):
    x = x_ref[...]
    dn = (((1,), (1,)), ((), ()))
    xwf = lax.dot_general(x, wihf_ref[...], dn, preferred_element_type=F32)
    xwb = lax.dot_general(x, wihb_ref[...], dn, preferred_element_type=F32)
    xw_ref[...] = jnp.concatenate([xwf, xwb], axis=1) + bcat_ref[...]

    whhf = whhf_ref[...]
    whhb = whhb_ref[...]

    def step(t, carry):
        hf, cf, hb, cb, sf, sb = carry
        gf = xw_ref[pl.ds(t * 8, 8), :1024] + lax.dot_general(
            hf, whhf, dn, preferred_element_type=F32)
        i = jax.nn.sigmoid(gf[:, :256])
        f = jax.nn.sigmoid(gf[:, 256:512])
        g = jnp.tanh(gf[:, 512:768])
        o = jax.nn.sigmoid(gf[:, 768:])
        cf = f * cf + i * g
        hf = o * jnp.tanh(cf)
        gb_ = xw_ref[pl.ds((19 - t) * 8, 8), 1024:] + lax.dot_general(
            hb, whhb, dn, preferred_element_type=F32)
        i = jax.nn.sigmoid(gb_[:, :256])
        f = jax.nn.sigmoid(gb_[:, 256:512])
        g = jnp.tanh(gb_[:, 512:768])
        o = jax.nn.sigmoid(gb_[:, 768:])
        cb = f * cb + i * g
        hb = o * jnp.tanh(cb)
        return hf, cf, hb, cb, sf + hf, sb + hb

    z = jnp.zeros((8, 256), F32)
    hf, cf, hb, cb, sf, sb = lax.fori_loop(0, 20, step, (z, z, z, z, z, z))
    q_ref[...] = jnp.concatenate([hf, hb], axis=1)
    cond = jnp.concatenate([sf, sb], axis=1) * (1.0 / 20.0)
    gb_ref[...] = jnp.dot(cond, wfu_ref[...], preferred_element_type=F32) + bfu_ref[...]
    gb2_ref[...] = jnp.dot(cond, wfe_ref[...], preferred_element_type=F32) + bfe_ref[...]


def _lstm(x, Wih_f, Wih_b, bcat, Whh_f, Whh_b, Wfu, bfu2, Wfe, bfe2):
    return pl.pallas_call(
        _lstm_body,
        out_shape=(
            jax.ShapeDtypeStruct((8, 512), F32),
            jax.ShapeDtypeStruct((8, 64), F32),
            jax.ShapeDtypeStruct((8, 512), F32),
        ),
        scratch_shapes=[pltpu.VMEM((160, 2048), F32)],
    )(x, Wih_f, Wih_b, bcat, Whh_f, Whh_b, Wfu, bfu2, Wfe, bfe2)


def _sel_a(off):
    c = lax.broadcasted_iota(jnp.int32, (224, 112), 0)
    w = lax.broadcasted_iota(jnp.int32, (224, 112), 1)
    return (c == 2 * w + off).astype(F32)


def _sel_b(off):
    r = lax.broadcasted_iota(jnp.int32, (112, 224), 1)
    h = lax.broadcasted_iota(jnp.int32, (112, 224), 0)
    return (r == 2 * h + off).astype(F32)


_TAP1 = ((0, 0), (1, 0), (0, 1))


def _conv1_body(img_ref, w_ref, gamma_ref, beta_ref, h1_ref):
    wb = _bf(w_ref[...])
    sa = (_sel_a(0), _sel_a(1))
    sb = (_sel_b(0), _sel_b(1))
    acc = jnp.zeros((32, 112, 112), F32)
    for ci in range(3):
        img = img_ref[0, ci]
        phs = {}
        for py in range(2):
            r = jnp.dot(sb[py], img, preferred_element_type=F32)
            for px in range(2):
                phs[(py, px)] = _bf(jnp.dot(r, sa[px], preferred_element_type=F32))
        for dy in range(3):
            py, sy = _TAP1[dy]
            for dx in range(3):
                px, sx = _TAP1[dx]
                pln = _shift(phs[(py, px)], sy, sx)
                wv = wb[:, ci * 9 + dy * 3 + dx].reshape(32, 1, 1)
                acc = acc + wv * pln[None]
    acc = jnp.maximum(acc, 0.0)
    gamma = gamma_ref[0].reshape(32, 1, 1)
    beta = beta_ref[0].reshape(32, 1, 1)
    h1_ref[0] = acc * (1.0 + gamma) + beta


def _conv1(imgs, w1r, gamma3, beta3):
    return pl.pallas_call(
        _conv1_body,
        grid=(8,),
        in_specs=[
            pl.BlockSpec((1, 3, 224, 224), lambda b: (b, 0, 0, 0)),
            pl.BlockSpec((32, 27), lambda b: (0, 0)),
            pl.BlockSpec((1, 1, 32), lambda b: (b, 0, 0)),
            pl.BlockSpec((1, 1, 32), lambda b: (b, 0, 0)),
        ],
        out_specs=pl.BlockSpec((1, 32, 112, 112), lambda b: (b, 0, 0, 0)),
        out_shape=jax.ShapeDtypeStruct((8, 32, 112, 112), F32),
    )(imgs, w1r, gamma3, beta3)


_CMAP = {0: ((1, -1), (0, 0), (1, 0)), 1: ((0, 0), (1, 0), (0, 1))}


def _shift(p, sy, sx):
    if sy == 1:
        p = jnp.concatenate([p[..., 1:, :], jnp.zeros_like(p[..., :1, :])], axis=-2)
    elif sy == -1:
        p = jnp.concatenate([jnp.zeros_like(p[..., :1, :]), p[..., :-1, :]], axis=-2)
    if sx == 1:
        p = jnp.concatenate([p[..., :, 1:], jnp.zeros_like(p[..., :, :1])], axis=-1)
    elif sx == -1:
        p = jnp.concatenate([jnp.zeros_like(p[..., :, :1]), p[..., :, :-1]], axis=-1)
    return p


def _updown_body(h1_ref, img_ref, w_ref, w224_ref, mph_ref):
    x = h1_ref[0]
    rsh = jnp.concatenate([x[:, :, :1], x[:, :, :-1]], axis=2)
    lsh = jnp.concatenate([x[:, :, 1:], x[:, :, -1:]], axis=2)
    upc = (0.75 * x + 0.25 * rsh, 0.75 * x + 0.25 * lsh)
    up = {}
    for px in range(2):
        u = upc[px]
        rshr = jnp.concatenate([u[:, :1, :], u[:, :-1, :]], axis=1)
        lshr = jnp.concatenate([u[:, 1:, :], u[:, -1:, :]], axis=1)
        up[(0, px)] = _bf(0.75 * u + 0.25 * rshr)
        up[(1, px)] = _bf(0.75 * u + 0.25 * lshr)
    wb = _bf(w_ref[...])
    sa = (_sel_a(0), _sel_a(1))
    sb = (_sel_b(0), _sel_b(1))
    w224 = jnp.zeros((224, 224), F32)
    mask = {}
    for py in range(2):
        for px in range(2):
            acc = jnp.zeros((32, 112, 112), F32)
            for dy in range(3):
                ry, sy = _CMAP[py][dy]
                for dx in range(3):
                    rx, sx = _CMAP[px][dx]
                    pln = _shift(up[(ry, rx)], sy, sx)
                    acc = acc + wb[:, dy * 3 + dx].reshape(32, 1, 1) * pln
            wpl = jnp.sum(acc, axis=0)
            mask[(py, px)] = (wpl > 0.0).astype(F32)
            w224 = w224 + jnp.dot(
                sa[py], jnp.dot(wpl, sb[px], preferred_element_type=F32),
                preferred_element_type=F32)
    w224_ref[0, 0] = w224
    for ci in range(3):
        img = img_ref[0, ci]
        for py in range(2):
            r = jnp.dot(sb[py], img, preferred_element_type=F32)
            for px in range(2):
                phase = jnp.dot(r, sa[px], preferred_element_type=F32)
                mph_ref[0, ci, py, px] = (phase * mask[(py, px)]).astype(jnp.bfloat16)


def _updown(h1, imgs, w2r):
    return pl.pallas_call(
        _updown_body,
        grid=(8,),
        in_specs=[
            pl.BlockSpec((1, 32, 112, 112), lambda b: (b, 0, 0, 0)),
            pl.BlockSpec((1, 3, 224, 224), lambda b: (b, 0, 0, 0)),
            pl.BlockSpec((32, 9), lambda b: (0, 0)),
        ],
        out_specs=(
            pl.BlockSpec((1, 1, 224, 224), lambda b: (b, 0, 0, 0)),
            pl.BlockSpec((1, 3, 2, 2, 112, 112), lambda b: (b, 0, 0, 0, 0, 0)),
        ),
        out_shape=(
            jax.ShapeDtypeStruct((8, 1, 224, 224), F32),
            jax.ShapeDtypeStruct((8, 3, 2, 2, 112, 112), jnp.bfloat16),
        ),
    )(h1, imgs, w2r)


def _mm_relu_body(x_ref, w_ref, o_ref):
    o_ref[...] = jnp.maximum(
        jnp.dot(x_ref[...], w_ref[...], preferred_element_type=F32), 0.0)


def _mm_relu_grid(x, w, mblk):
    m, k = x.shape
    n = w.shape[1]
    return pl.pallas_call(
        _mm_relu_body,
        grid=(m // mblk,),
        in_specs=[
            pl.BlockSpec((mblk, k), lambda i: (i, 0)),
            pl.BlockSpec((k, n), lambda i: (0, 0)),
        ],
        out_specs=pl.BlockSpec((mblk, n), lambda i: (i, 0)),
        out_shape=jax.ShapeDtypeStruct((m, n), F32),
    )(x, w)


def _mm_film_body(x_ref, w_ref, g_ref, b_ref, o_ref):
    e = jnp.dot(x_ref[...], w_ref[...], preferred_element_type=F32)
    o_ref[...] = jnp.maximum(e * (1.0 + g_ref[...]) + b_ref[...], 0.0)


def _mm_film(x, w, g, b):
    m, k = x.shape
    n = w.shape[1]
    return pl.pallas_call(
        _mm_film_body,
        out_shape=jax.ShapeDtypeStruct((m, n), F32),
    )(x, w, g, b)


def _ffn_body(f_ref, w1_ref, b1_ref, w2_ref, b2_ref, o_ref, acc_ref):
    i = pl.program_id(0)

    @pl.when(i == 0)
    def _():
        acc_ref[...] = jnp.zeros_like(acc_ref)

    acc_ref[...] += jnp.dot(f_ref[...], w1_ref[...], preferred_element_type=F32)

    @pl.when(i == 5)
    def _():
        hdn = jnp.maximum(acc_ref[...] + b1_ref[...], 0.0)
        o_ref[...] = jnp.dot(hdn, w2_ref[...], preferred_element_type=F32) + b2_ref[...]


def _ffn(feats, W1, b1r, W2, b2r):
    kb = 13056 // 6
    return pl.pallas_call(
        _ffn_body,
        grid=(6,),
        in_specs=[
            pl.BlockSpec((8, kb), lambda i: (0, i)),
            pl.BlockSpec((kb, 1024), lambda i: (i, 0)),
            pl.BlockSpec((1, 1024), lambda i: (0, 0)),
            pl.BlockSpec((1024, 3129), lambda i: (0, 0)),
            pl.BlockSpec((1, 3129), lambda i: (0, 0)),
        ],
        out_specs=pl.BlockSpec((8, 3129), lambda i: (0, 0)),
        out_shape=jax.ShapeDtypeStruct((8, 3129), F32),
        scratch_shapes=[pltpu.VMEM((8, 1024), F32)],
    )(feats, W1, b1r, W2, b2r)


def kernel(imgs, words, table, Wih_f, Whh_f, b_f, Wih_b, Whh_b, b_b, Wu1,
           Wfu, bfu, Wu2, We1, We2, We3, Wfe, bfe, W1, b1, W2, b2):
    idxp = jnp.zeros((256,), jnp.int32).at[:160].set(
        words.T.reshape(-1).astype(jnp.int32))
    rows = _sc_gather(table, idxp)
    x = rows[:160]

    bcat = jnp.concatenate([b_f, b_b]).reshape(1, 2048)
    question, gb, gb2 = _lstm(
        x, Wih_f, Wih_b, bcat, Whh_f, Whh_b,
        Wfu, bfu.reshape(1, 64), Wfe, bfe.reshape(1, 512))
    gamma3 = gb[:, :32].reshape(8, 1, 32)
    beta3 = gb[:, 32:].reshape(8, 1, 32)
    g2 = gb2[:, :256]
    bt2 = gb2[:, 256:]

    h1 = _conv1(imgs, Wu1.reshape(32, 27), gamma3, beta3)

    weights, masked_ph = _updown(h1, imgs, Wu2.reshape(32, 9))

    bf16 = jnp.bfloat16
    mp = masked_ph.reshape(8, 3, 2, 2, 56, 2, 56, 2)
    patches = mp.transpose(0, 4, 6, 5, 2, 7, 3, 1).reshape(25088, 48)
    e1 = _mm_relu_grid(patches, We1.transpose(2, 3, 1, 0).reshape(48, 64).astype(bf16), 3136)

    p2 = e1.astype(bf16).reshape(8, 14, 4, 14, 4, 64).transpose(0, 1, 3, 2, 4, 5).reshape(1568, 1024)
    e2 = _mm_relu_grid(p2, We2.transpose(2, 3, 1, 0).reshape(1024, 128).astype(bf16), 1568)

    p3 = e2.astype(bf16).reshape(8, 7, 2, 7, 2, 128).transpose(0, 1, 3, 2, 4, 5).reshape(392, 512)
    e3 = _mm_film(p3, We3.transpose(2, 3, 1, 0).reshape(512, 256).astype(bf16),
                  jnp.repeat(g2, 49, axis=0), jnp.repeat(bt2, 49, axis=0))

    img_embed = e3.reshape(8, 49, 256).transpose(0, 2, 1).reshape(8, 12544)
    feats = jnp.concatenate([img_embed, question], axis=1)
    s = _ffn(feats, W1, b1.reshape(1, 1024), W2, b2.reshape(1, 3129))
    return s, weights

# --- scband reference (transcript-rebuilt; emitter-appended) ---
"""Pipeline reference for scband-vqamodel-76811195122515 (READ-ONLY COPY).

The authoritative reference and input builder live on the scoring server;
editing this copy changes nothing except your own understanding.
"""

import jax, jax.numpy as jnp
import numpy as np

B = 8; T = 20; D = 512; H = 256; IMG = 224; VOCAB = 30522; NANS = 3129

def _conv(x, w, stride, padding):
    return jax.lax.conv_general_dilated(x, w, (stride, stride), padding, dimension_numbers=('NCHW', 'OIHW', 'NCHW'))

def _lstm_dir(x_seq, Wih, Whh, b, reverse):
    Hh = Whh.shape[1]
    Bb = x_seq.shape[1]
    def step(carry, xt):
        h, c = carry
        gates = xt @ Wih.T + h @ Whh.T + b
        i, f, g, o = jnp.split(gates, 4, axis=-1)
        i = jax.nn.sigmoid(i); f = jax.nn.sigmoid(f); o = jax.nn.sigmoid(o); g = jnp.tanh(g)
        c = f * c + i * g
        h = o * jnp.tanh(c)
        return (h, c), h
    init = (jnp.zeros((Bb, Hh), x_seq.dtype), jnp.zeros((Bb, Hh), x_seq.dtype))
    (hT, _), hs = jax.lax.scan(step, init, x_seq, reverse=reverse)
    return hs, hT

def setup_inputs(seed: int = 0):
    key = jax.random.key(seed)
    ks = jax.random.split(key, 24)
    def rn(k, shape, scale):
        return jax.random.normal(k, shape, dtype=jnp.float32) * scale
    imgs = jax.random.normal(ks[0], (B, 3, IMG, IMG), dtype=jnp.float32)
    words = jax.random.randint(ks[1], (B, T), 0, VOCAB)
    table = rn(ks[2], (VOCAB, D), 0.02).at[0].set(0.0)
    Wih_f = rn(ks[3], (4 * H, D), 0.05); Whh_f = rn(ks[4], (4 * H, H), 0.05); b_f = jnp.zeros((4 * H,), jnp.float32)
    Wih_b = rn(ks[5], (4 * H, D), 0.05); Whh_b = rn(ks[6], (4 * H, H), 0.05); b_b = jnp.zeros((4 * H,), jnp.float32)
    Wu1 = rn(ks[7], (32, 3, 3, 3), 0.1)
    Wfu = rn(ks[8], (D, 64), 0.05); bfu = jnp.zeros((64,), jnp.float32)
    Wu2 = rn(ks[9], (1, 32, 3, 3), 0.1)
    We1 = rn(ks[10], (64, 3, 4, 4), 0.1)
    We2 = rn(ks[11], (128, 64, 4, 4), 0.05)
    We3 = rn(ks[12], (256, 128, 2, 2), 0.05)
    Wfe = rn(ks[13], (D, 512), 0.05); bfe = jnp.zeros((512,), jnp.float32)
    W1 = rn(ks[14], (12544 + D, 1024), 0.02); b1 = jnp.zeros((1024,), jnp.float32)
    W2 = rn(ks[15], (1024, NANS), 0.02); b2 = jnp.zeros((NANS,), jnp.float32)
    return {'imgs': imgs, 'words': words, 'table': table, 'Wih_f': Wih_f, 'Whh_f': Whh_f, 'b_f': b_f, 'Wih_b': Wih_b, 'Whh_b': Whh_b, 'b_b': b_b, 'Wu1': Wu1, 'Wfu': Wfu, 'bfu': bfu, 'Wu2': Wu2, 'We1': We1, 'We2': We2, 'We3': We3, 'Wfe': Wfe, 'bfe': bfe, 'W1': W1, 'b1': b1, 'W2': W2, 'b2': b2}

def reference(imgs, words, table, Wih_f, Whh_f, b_f, Wih_b, Whh_b, b_b, Wu1, Wfu, bfu, Wu2, We1, We2, We3, Wfe, bfe, W1, b1, W2, b2):
    we = table[words]
    x = jnp.swapaxes(we, 0, 1)
    hs_f, hf = _lstm_dir(x, Wih_f, Whh_f, b_f, False)
    hs_b, hb = _lstm_dir(x, Wih_b, Whh_b, b_b, True)
    word_seq = jnp.concatenate([hs_f, hs_b], -1)
    question = jnp.concatenate([hf, hb], -1)
    cond = word_seq.mean(0)
    h1 = jax.nn.relu(_conv(imgs, Wu1, 2, 'SAME'))
    gb = cond @ Wfu + bfu
    gamma, beta = jnp.split(gb, 2, -1)
    h1 = h1 * (1.0 + gamma[:, :, None, None]) + beta[:, :, None, None]
    up = jax.image.resize(h1, (h1.shape[0], 32, IMG, IMG), 'bilinear')
    weights = _conv(up, Wu2, 1, 'SAME')[:, 0]
    masked = imgs * (weights > 0)[:, None, :, :].astype(imgs.dtype)
    e = jax.nn.relu(_conv(masked, We1, 4, 'VALID'))
    e = jax.nn.relu(_conv(e, We2, 4, 'VALID'))
    e = _conv(e, We3, 2, 'VALID')
    gb2 = cond @ Wfe + bfe
    g2, bt2 = jnp.split(gb2, 2, -1)
    e = jax.nn.relu(e * (1.0 + g2[:, :, None, None]) + bt2[:, :, None, None])
    img_embed = e.reshape(e.shape[0], -1)
    feats = jnp.concatenate([img_embed, question], -1)
    hdn = jax.nn.relu(feats @ W1 + b1)
    s_answer = hdn @ W2 + b2
    return s_answer, weights[:, None, :, :]

if __name__ == "__main__":
    import jax
    _d = setup_inputs()
    print(jax.jit(kernel)(*tuple(_d.values())))

</pallas_src>

<mosaic_0001>
#map = affine_map<(d0, d1) -> (0, 0)>
#map1 = affine_map<(d0, d1) -> (0)>
module attributes {stable_mosaic.version = 14 : i64} {
  func.func @k(%arg0: i32, %arg1: i32, %arg2: memref<30522x512xf32, #tpu.memory_space<hbm>>, %arg3: memref<256xi32, #tpu.memory_space<hbm>>, %arg4: memref<256x512xf32, #tpu.memory_space<hbm>>, %arg5: memref<8xi32, #tpu.memory_space<vmem>>, %arg6: memref<8x512xf32, #tpu.memory_space<vmem>>, %arg7: memref<!tpu.dma_semaphore, #tpu.memory_space<semaphore_mem>>) attributes {dimension_semantics = [#tpu.dimension_semantics<core_parallel>, #tpu.dimension_semantics<subcore_parallel>], iteration_bounds = array<i64: 2, 16>, scalar_prefetch = 0 : i64, scratch_operands = 3 : i64, tpu.core_type = #tpu.core_type<sc_vector_subcore>, window_params = [{transform_indices = #map}, {transform_indices = #map1}, {transform_indices = #map}]} {
    %mul3A = arith.constant 2 : i32
    %mul3A_0 = arith.muli %arg1, %mul3A : i32
    %add3A = arith.addi %mul3A_0, %arg0 : i32
    %mul3A_1 = arith.constant 8 : i32
    %mul3A_2 = arith.muli %add3A, %mul3A_1 : i32
    "tpu.region"() ({
      %run_scoped3A = tpu.sem_alloc : memref<!tpu.dma_semaphore, #tpu.memory_space<semaphore_mem>>
      %dma_start3A_7 = tpu.memref_slice %arg3[%mul3A_2] : memref<256xi32, #tpu.memory_space<hbm>> -> memref<8xi32, #tpu.memory_space<hbm>>
      %dma_start3A_8 = tpu.memref_slice %arg3[%mul3A_2] : memref<256xi32, #tpu.memory_space<hbm>> -> memref<8xi32, #tpu.memory_space<hbm>>
      tpu.enqueue_dma source(%dma_start3A_8 : memref<8xi32, #tpu.memory_space<hbm>>) target(%arg5 : memref<8xi32, #tpu.memory_space<vmem>>) target_semaphore(%run_scoped3A : memref<!tpu.dma_semaphore, #tpu.memory_space<semaphore_mem>>)
      %dma_wait3A_9 = tpu.memref_slice %arg3[%mul3A_2] : memref<256xi32, #tpu.memory_space<hbm>> -> memref<8xi32, #tpu.memory_space<hbm>>
      %dma_wait3A_10 = tpu.memref_slice %arg3[%mul3A_2] : memref<256xi32, #tpu.memory_space<hbm>> -> memref<8xi32, #tpu.memory_space<hbm>>
      tpu.wait_dma2 semaphore(%run_scoped3A : memref<!tpu.dma_semaphore, #tpu.memory_space<semaphore_mem>>) src(%dma_wait3A_10 : memref<8xi32, #tpu.memory_space<hbm>>) dst(%arg5 : memref<8xi32, #tpu.memory_space<vmem>>)
      tpu.yield
    }) : () -> ()
    %dma_start3A = arith.constant 0 : i32
    %dma_start3A_3 = arith.constant 0 : i32
    %dma_start3A_4 = tpu.memref_slice %arg2[%dma_start3A, %dma_start3A_3] : memref<30522x512xf32, #tpu.memory_space<hbm>> -> memref<30522x512xf32, #tpu.memory_space<hbm>>
    tpu.enqueue_indirect_dma source(%dma_start3A_4 : memref<30522x512xf32, #tpu.memory_space<hbm>>) target(%arg6 : memref<8x512xf32, #tpu.memory_space<vmem>>) offsets(%arg5 : memref<8xi32, #tpu.memory_space<vmem>>) semaphore(%arg7 : memref<!tpu.dma_semaphore, #tpu.memory_space<semaphore_mem>>)
    %dma_wait3A = arith.constant 0 : i32
    %dma_wait3A_5 = arith.constant 0 : i32
    %dma_wait3A_6 = tpu.memref_slice %arg2[%dma_wait3A, %dma_wait3A_5] : memref<30522x512xf32, #tpu.memory_space<hbm>> -> memref<30522x512xf32, #tpu.memory_space<hbm>>
    tpu.wait_indirect_dma semaphore(%arg7 : memref<!tpu.dma_semaphore, #tpu.memory_space<semaphore_mem>>) src(%dma_wait3A_6 : memref<30522x512xf32, #tpu.memory_space<hbm>>) dst(%arg6 : memref<8x512xf32, #tpu.memory_space<vmem>>)
    "tpu.region"() ({
      %run_scoped3A = tpu.sem_alloc : memref<!tpu.dma_semaphore, #tpu.memory_space<semaphore_mem>>
      %dma_start3A_7 = arith.constant 0 : i32
      %dma_start3A_8 = tpu.memref_slice %arg4[%mul3A_2, %dma_start3A_7] : memref<256x512xf32, #tpu.memory_space<hbm>> -> memref<8x512xf32, #tpu.memory_space<hbm>>
      %dma_start3A_9 = arith.constant 0 : i32
      %dma_start3A_10 = tpu.memref_slice %arg4[%mul3A_2, %dma_start3A_9] : memref<256x512xf32, #tpu.memory_space<hbm>> -> memref<8x512xf32, #tpu.memory_space<hbm>>
      tpu.enqueue_dma source(%arg6 : memref<8x512xf32, #tpu.memory_space<vmem>>) target(%dma_start3A_10 : memref<8x512xf32, #tpu.memory_space<hbm>>) target_semaphore(%run_scoped3A : memref<!tpu.dma_semaphore, #tpu.memory_space<semaphore_mem>>)
      %dma_wait3A_11 = arith.constant 0 : i32
      %dma_wait3A_12 = tpu.memref_slice %arg4[%mul3A_2, %dma_wait3A_11] : memref<256x512xf32, #tpu.memory_space<hbm>> -> memref<8x512xf32, #tpu.memory_space<hbm>>
      %dma_wait3A_13 = arith.constant 0 : i32
      %dma_wait3A_14 = tpu.memref_slice %arg4[%mul3A_2, %dma_wait3A_13] : memref<256x512xf32, #tpu.memory_space<hbm>> -> memref<8x512xf32, #tpu.memory_space<hbm>>
      tpu.wait_dma2 semaphore(%run_scoped3A : memref<!tpu.dma_semaphore, #tpu.memory_space<semaphore_mem>>) src(%arg6 : memref<8x512xf32, #tpu.memory_space<vmem>>) dst(%dma_wait3A_14 : memref<8x512xf32, #tpu.memory_space<hbm>>)
      tpu.yield
    }) : () -> ()
    return
  }
}

module attributes {stable_mosaic.version = 14 : i64} {
  func.func @_lstm_body(%arg0: memref<160x512xf32, #tpu.memory_space<vmem>>, %arg1: memref<1024x512xf32, #tpu.memory_space<vmem>>, %arg2: memref<1024x512xf32, #tpu.memory_space<vmem>>, %arg3: memref<1x2048xf32, #tpu.memory_space<vmem>>, %arg4: memref<1024x256xf32, #tpu.memory_space<vmem>>, %arg5: memref<1024x256xf32, #tpu.memory_space<vmem>>, %arg6: memref<512x64xf32, #tpu.memory_space<vmem>>, %arg7: memref<1x64xf32, #tpu.memory_space<vmem>>, %arg8: memref<512x512xf32, #tpu.memory_space<vmem>>, %arg9: memref<1x512xf32, #tpu.memory_space<vmem>>, %arg10: memref<8x512xf32, #tpu.memory_space<vmem>>, %arg11: memref<8x64xf32, #tpu.memory_space<vmem>>, %arg12: memref<8x512xf32, #tpu.memory_space<vmem>>, %arg13: memref<160x2048xf32, #tpu.memory_space<vmem>>) attributes {dimension_semantics = [], scalar_prefetch = 0 : i64, scratch_operands = 1 : i64, tpu.core_type = #tpu.core_type<tc>} {
    %get3A = arith.constant 0 : index
    %get3A_0 = arith.constant 0 : index
    %get3A_1 = vector.load %arg0[%get3A, %get3A_0] : memref<160x512xf32, #tpu.memory_space<vmem>>, vector<160x512xf32>
    %get3A_2 = arith.constant 0 : index
    %get3A_3 = arith.constant 0 : index
    %get3A_4 = vector.load %arg1[%get3A_2, %get3A_3] : memref<1024x512xf32, #tpu.memory_space<vmem>>, vector<1024x512xf32>
    %dot_general3A = arith.constant dense<0.000000e+00> : vector<160x1024xf32>
    %dot_general3A_5 = tpu.matmul %get3A_1, %get3A_4, %dot_general3A {dimension_numbers = #tpu.dot_dimension_numbers<[1], [1], [0], [0], [0, 0, 1, 0], [], []>, transpose_lhs_hint = false} : vector<160x512xf32>, vector<1024x512xf32>, vector<160x1024xf32> -> vector<160x1024xf32>
    %get3A_6 = arith.constant 0 : index
    %get3A_7 = arith.constant 0 : index
    %get3A_8 = vector.load %arg2[%get3A_6, %get3A_7] : memref<1024x512xf32, #tpu.memory_space<vmem>>, vector<1024x512xf32>
    %dot_general3A_9 = arith.constant dense<0.000000e+00> : vector<160x1024xf32>
    %dot_general3A_10 = tpu.matmul %get3A_1, %get3A_8, %dot_general3A_9 {dimension_numbers = #tpu.dot_dimension_numbers<[1], [1], [0], [0], [0, 0, 1, 0], [], []>, transpose_lhs_hint = false} : vector<160x512xf32>, vector<1024x512xf32>, vector<160x1024xf32> -> vector<160x1024xf32>
    %concatenate3A = tpu.concatenate %dot_general3A_5, %dot_general3A_10 in 1 : vector<160x1024xf32>, vector<160x1024xf32> -> vector<160x2048xf32>
    %get3A_11 = arith.constant 0 : index
    %get3A_12 = arith.constant 0 : index
    %get3A_13 = vector.load %arg3[%get3A_11, %get3A_12] : memref<1x2048xf32, #tpu.memory_space<vmem>>, vector<1x2048xf32>
    %add3A = vector.broadcast %get3A_13 : vector<1x2048xf32> to vector<160x2048xf32>
    %add3A_14 = arith.addf %concatenate3A, %add3A : vector<160x2048xf32>
    %swap3A = arith.constant 0 : index
    %swap3A_15 = arith.constant 0 : index
    %swap3A_16 = vector.load %arg13[%swap3A, %swap3A_15] : memref<160x2048xf32, #tpu.memory_space<vmem>>, vector<160x2048xf32>
    tpu.vector_store %arg13[%swap3A, %swap3A_15], %add3A_14 {strides = array<i32>} : memref<160x2048xf32, #tpu.memory_space<vmem>>, vector<160x2048xf32>,
    %get3A_17 = arith.constant 0 : index
    %get3A_18 = arith.constant 0 : index
    %get3A_19 = vector.load %arg4[%get3A_17, %get3A_18] : memref<1024x256xf32, #tpu.memory_space<vmem>>, vector<1024x256xf32>
    %get3A_20 = arith.constant 0 : index
    %get3A_21 = arith.constant 0 : index
    %get3A_22 = vector.load %arg5[%get3A_20, %get3A_21] : memref<1024x256xf32, #tpu.memory_space<vmem>>, vector<1024x256xf32>
    %broadcast_in_dim3A = arith.constant 0.000000e+00 : f32
    %broadcast_in_dim3A_23 = vector.broadcast %broadcast_in_dim3A : f32 to vector<8x256xf32>
    %scan3A = arith.constant 0 : i32
    %scan3A_24 = arith.constant 20 : i32
    %scan3A_25 = arith.addi %scan3A, %scan3A_24 : i32
    %scan3A_26 = arith.constant 1 : i32
    %scan3A_27:6 = scf.for %scan3A_62 = %scan3A to %scan3A_25 step %scan3A_26 iter_args(%scan3A_63 = %broadcast_in_dim3A_23, %scan3A_64 = %broadcast_in_dim3A_23, %scan3A_65 = %broadcast_in_dim3A_23, %scan3A_66 = %broadcast_in_dim3A_23, %scan3A_67 = %broadcast_in_dim3A_23, %scan3A_68 = %broadcast_in_dim3A_23) -> (vector<8x256xf32>, vector<8x256xf32>, vector<8x256xf32>, vector<8x256xf32>, vector<8x256xf32>, vector<8x256xf32>)  : i32 {
      %mul3A_69 = arith.constant 8 : i32
      %mul3A_70 = arith.muli %scan3A_62, %mul3A_69 : i32
      %get3A_71 = arith.index_cast %mul3A_70 : i32 to index
      %get3A_72 = arith.constant 0 : index
      %get3A_73 = vector.load %arg13[%get3A_71, %get3A_72] : memref<160x2048xf32, #tpu.memory_space<vmem>>, vector<8x1024xf32>
      %dot_general3A_74 = arith.constant dense<0.000000e+00> : vector<8x1024xf32>
      %dot_general3A_75 = tpu.matmul %scan3A_63, %get3A_19, %dot_general3A_74 {dimension_numbers = #tpu.dot_dimension_numbers<[1], [1], [0], [0], [0, 0, 1, 0], [], []>, transpose_lhs_hint = false} : vector<8x256xf32>, vector<1024x256xf32>, vector<8x1024xf32> -> vector<8x1024xf32>
      %add3A_76 = arith.addf %get3A_73, %dot_general3A_75 : vector<8x1024xf32>
      %slice3A = vector.extract_strided_slice %add3A_76 {offsets = [0, 0], sizes = [8, 256], strides = [1, 1]} : vector<8x1024xf32> to vector<8x256xf32>
      %logistic3A = arith.negf %slice3A : vector<8x256xf32>
      %logistic3A_77 = math.exp %logistic3A : vector<8x256xf32>
      %logistic3A_78 = arith.constant 1.000000e+00 : f32
      %logistic3A_79 = vector.broadcast %logistic3A_78 : f32 to vector<8x256xf32>
      %logistic3A_80 = arith.addf %logistic3A_79, %logistic3A_77 : vector<8x256xf32>
      %logistic3A_81 = arith.divf %logistic3A_79, %logistic3A_80 : vector<8x256xf32>
      %slice3A_82 = vector.extract_strided_slice %add3A_76 {offsets = [0, 256], sizes = [8, 256], strides = [1, 1]} : vector<8x1024xf32> to vector<8x256xf32>
      %logistic3A_83 = arith.negf %slice3A_82 : vector<8x256xf32>
      %logistic3A_84 = math.exp %logistic3A_83 : vector<8x256xf32>
      %logistic3A_85 = arith.constant 1.000000e+00 : f32
      %logistic3A_86 = vector.broadcast %logistic3A_85 : f32 to vector<8x256xf32>
      %logistic3A_87 = arith.addf %logistic3A_86, %logistic3A_84 : vector<8x256xf32>
      %logistic3A_88 = arith.divf %logistic3A_86, %logistic3A_87 : vector<8x256xf32>
      %slice3A_89 = vector.extract_strided_slice %add3A_76 {offsets = [0, 512], sizes = [8, 256], strides = [1, 1]} : vector<8x1024xf32> to vector<8x256xf32>
      %tanh3A = math.tanh %slice3A_89 : vector<8x256xf32>
      %slice3A_90 = vector.extract_strided_slice %add3A_76 {offsets = [0, 768], sizes = [8, 256], strides = [1, 1]} : vector<8x1024xf32> to vector<8x256xf32>
      %logistic3A_91 = arith.negf %slice3A_90 : vector<8x256xf32>
      %logistic3A_92 = math.exp %logistic3A_91 : vector<8x256xf32>
      %logistic3A_93 = arith.constant 1.000000e+00 : f32
      %logistic3A_94 = vector.broadcast %logistic3A_93 : f32 to vector<8x256xf32>
      %logistic3A_95 = arith.addf %logistic3A_94, %logistic3A_92 : vector<8x256xf32>
      %logistic3A_96 = arith.divf %logistic3A_94, %logistic3A_95 : vector<8x256xf32>
      %mul3A_97 = arith.mulf %logistic3A_88, %scan3A_64 : vector<8x256xf32>
      %mul3A_98 = arith.mulf %logistic3A_81, %tanh3A : vector<8x256xf32>
      %add3A_99 = arith.addf %mul3A_97, %mul3A_98 : vector<8x256xf32>
      %tanh3A_100 = math.tanh %add3A_99 : vector<8x256xf32>
      %mul3A_101 = arith.mulf %logistic3A_96, %tanh3A_100 : vector<8x256xf32>
      %sub3A = arith.constant 19 : i32
      %sub3A_102 = arith.subi %sub3A, %scan3A_62 : i32
      %mul3A_103 = arith.constant 8 : i32
      %mul3A_104 = arith.muli %sub3A_102, %mul3A_103 : i32
      %get3A_105 = arith.index_cast %mul3A_104 : i32 to index
      %get3A_106 = arith.constant 1024 : index
      %get3A_107 = vector.load %arg13[%get3A_105, %get3A_106] : memref<160x2048xf32, #tpu.memory_space<vmem>>, vector<8x1024xf32>
      %dot_general3A_108 = arith.constant dense<0.000000e+00> : vector<8x1024xf32>
      %dot_general3A_109 = tpu.matmul %scan3A_65, %get3A_22, %dot_general3A_108 {dimension_numbers = #tpu.dot_dimension_numbers<[1], [1], [0], [0], [0, 0, 1, 0], [], []>, transpose_lhs_hint = false} : vector<8x256xf32>, vector<1024x256xf32>, vector<8x1024xf32> -> vector<8x1024xf32>
      %add3A_110 = arith.addf %get3A_107, %dot_general3A_109 : vector<8x1024xf32>
      %slice3A_111 = vector.extract_strided_slice %add3A_110 {offsets = [0, 0], sizes = [8, 256], strides = [1, 1]} : vector<8x1024xf32> to vector<8x256xf32>
      %logistic3A_112 = arith.negf %slice3A_111 : vector<8x256xf32>
      %logistic3A_113 = math.exp %logistic3A_112 : vector<8x256xf32>
      %logistic3A_114 = arith.constant 1.000000e+00 : f32
      %logistic3A_115 = vector.broadcast %logistic3A_114 : f32 to vector<8x256xf32>
      %logistic3A_116 = arith.addf %logistic3A_115, %logistic3A_113 : vector<8x256xf32>
      %logistic3A_117 = arith.divf %logistic3A_115, %logistic3A_116 : vector<8x256xf32>
      %slice3A_118 = vector.extract_strided_slice %add3A_110 {offsets = [0, 256], sizes = [8, 256], strides = [1, 1]} : vector<8x1024xf32> to vector<8x256xf32>
      %logistic3A_119 = arith.negf %slice3A_118 : vector<8x256xf32>
      %logistic3A_120 = math.exp %logistic3A_119 : vector<8x256xf32>
      %logistic3A_121 = arith.constant 1.000000e+00 : f32
      %logistic3A_122 = vector.broadcast %logistic3A_121 : f32 to vector<8x256xf32>
      %logistic3A_123 = arith.addf %logistic3A_122, %logistic3A_120 : vector<8x256xf32>
      %logistic3A_124 = arith.divf %logistic3A_122, %logistic3A_123 : vector<8x256xf32>
      %slice3A_125 = vector.extract_strided_slice %add3A_110 {offsets = [0, 512], sizes = [8, 256], strides = [1, 1]} : vector<8x1024xf32> to vector<8x256xf32>
      %tanh3A_126 = math.tanh %slice3A_125 : vector<8x256xf32>
      %slice3A_127 = vector.extract_strided_slice %add3A_110 {offsets = [0, 768], sizes = [8, 256], strides = [1, 1]} : vector<8x1024xf32> to vector<8x256xf32>
      %logistic3A_128 = arith.negf %slice3A_127 : vector<8x256xf32>
      %logistic3A_129 = math.exp %logistic3A_128 : vector<8x256xf32>
      %logistic3A_130 = arith.constant 1.000000e+00 : f32
      %logistic3A_131 = vector.broadcast %logistic3A_130 : f32 to vector<8x256xf32>
      %logistic3A_132 = arith.addf %logistic3A_131, %logistic3A_129 : vector<8x256xf32>
      %logistic3A_133 = arith.divf %logistic3A_131, %logistic3A_132 : vector<8x256xf32>
      %mul3A_134 = arith.mulf %logistic3A_124, %scan3A_66 : vector<8x256xf32>
      %mul3A_135 = arith.mulf %logistic3A_117, %tanh3A_126 : vector<8x256xf32>
      %add3A_136 = arith.addf %mul3A_134, %mul3A_135 : vector<8x256xf32>
      %tanh3A_137 = math.tanh %add3A_136 : vector<8x256xf32>
      %mul3A_138 = arith.mulf %logistic3A_133, %tanh3A_137 : vector<8x256xf32>
      %add3A_139 = arith.addf %scan3A_67, %mul3A_101 : vector<8x256xf32>
      %add3A_140 = arith.addf %scan3A_68, %mul3A_138 : vector<8x256xf32>
      scf.yield %mul3A_101, %add3A_99, %mul3A_138, %add3A_136, %add3A_139, %add3A_140 : vector<8x256xf32>, vector<8x256xf32>, vector<8x256xf32>, vector<8x256xf32>, vector<8x256xf32>, vector<8x256xf32>
    }
    %scan3A_28 = arith.constant 20 : i32
    %concatenate3A_29 = tpu.concatenate %scan3A_27#0, %scan3A_27#2 in 1 : vector<8x256xf32>, vector<8x256xf32> -> vector<8x512xf32>
    %swap3A_30 = arith.constant 0 : index
    %swap3A_31 = arith.constant 0 : index
    %swap3A_32 = vector.load %arg10[%swap3A_30, %swap3A_31] : memref<8x512xf32, #tpu.memory_space<vmem>>, vector<8x512xf32>
    tpu.vector_store %arg10[%swap3A_30, %swap3A_31], %concatenate3A_29 {strides = array<i32>} : memref<8x512xf32, #tpu.memory_space<vmem>>, vector<8x512xf32>,
    %concatenate3A_33 = tpu.concatenate %scan3A_27#4, %scan3A_27#5 in 1 : vector<8x256xf32>, vector<8x256xf32> -> vector<8x512xf32>
    %mul3A = arith.constant 5.000000e-02 : f32
    %mul3A_34 = vector.broadcast %mul3A : f32 to vector<8x512xf32>
    %mul3A_35 = arith.mulf %concatenate3A_33, %mul3A_34 : vector<8x512xf32>
    %get3A_36 = arith.constant 0 : index
    %get3A_37 = arith.constant 0 : index
    %get3A_38 = vector.load %arg6[%get3A_36, %get3A_37] : memref<512x64xf32, #tpu.memory_space<vmem>>, vector<512x64xf32>
    %dot_general3A_39 = arith.constant dense<0.000000e+00> : vector<8x64xf32>
    %dot_general3A_40 = tpu.matmul %mul3A_35, %get3A_38, %dot_general3A_39 {dimension_numbers = #tpu.dot_dimension_numbers<[1], [0], [0], [1], [0, 0, 1, 1], [], []>, transpose_lhs_hint = false} : vector<8x512xf32>, vector<512x64xf32>, vector<8x64xf32> -> vector<8x64xf32>
    %get3A_41 = arith.constant 0 : index
    %get3A_42 = arith.constant 0 : index
    %get3A_43 = vector.load %arg7[%get3A_41, %get3A_42] : memref<1x64xf32, #tpu.memory_space<vmem>>, vector<1x64xf32>
    %add3A_44 = vector.broadcast %get3A_43 : vector<1x64xf32> to vector<8x64xf32>
    %add3A_45 = arith.addf %dot_general3A_40, %add3A_44 : vector<8x64xf32>
    %swap3A_46 = arith.constant 0 : index
    %swap3A_47 = arith.constant 0 : index
    %swap3A_48 = vector.load %arg11[%swap3A_46, %swap3A_47] : memref<8x64xf32, #tpu.memory_space<vmem>>, vector<8x64xf32>
    tpu.vector_store %arg11[%swap3A_46, %swap3A_47], %add3A_45 {strides = array<i32>} : memref<8x64xf32, #tpu.memory_space<vmem>>, vector<8x64xf32>,
    %get3A_49 = arith.constant 0 : index
    %get3A_50 = arith.constant 0 : index
    %get3A_51 = vector.load %arg8[%get3A_49, %get3A_50] : memref<512x512xf32, #tpu.memory_space<vmem>>, vector<512x512xf32>
    %dot_general3A_52 = arith.constant dense<0.000000e+00> : vector<8x512xf32>
    %dot_general3A_53 = tpu.matmul %mul3A_35, %get3A_51, %dot_general3A_52 {dimension_numbers = #tpu.dot_dimension_numbers<[1], [0], [0], [1], [0, 0, 1, 1], [], []>, transpose_lhs_hint = false} : vector<8x512xf32>, vector<512x512xf32>, vector<8x512xf32> -> vector<8x512xf32>
    %get3A_54 = arith.constant 0 : index
    %get3A_55 = arith.constant 0 : index
    %get3A_56 = vector.load %arg9[%get3A_54, %get3A_55] : memref<1x512xf32, #tpu.memory_space<vmem>>, vector<1x512xf32>
    %add3A_57 = vector.broadcast %get3A_56 : vector<1x512xf32> to vector<8x512xf32>
    %add3A_58 = arith.addf %dot_general3A_53, %add3A_57 : vector<8x512xf32>
    %swap3A_59 = arith.constant 0 : index
    %swap3A_60 = arith.constant 0 : index
    %swap3A_61 = vector.load %arg12[%swap3A_59, %swap3A_60] : memref<8x512xf32, #tpu.memory_space<vmem>>, vector<8x512xf32>
    tpu.vector_store %arg12[%swap3A_59, %swap3A_60], %add3A_58 {strides = array<i32>} : memref<8x512xf32, #tpu.memory_space<vmem>>, vector<8x512xf32>,
    return
  }
}

module attributes {stable_mosaic.version = 14 : i64} {
  func.func @_conv1_body(%arg0: i32, %arg1: memref<1x3x224x224xf32, #tpu.memory_space<vmem>>, %arg2: memref<32x27xf32, #tpu.memory_space<vmem>>, %arg3: memref<1x1x32xf32, #tpu.memory_space<vmem>>, %arg4: memref<1x1x32xf32, #tpu.memory_space<vmem>>, %arg5: memref<1x32x112x112xf32, #tpu.memory_space<vmem>>) attributes {dimension_semantics = [#tpu.dimension_semantics<arbitrary>], iteration_bounds = array<i64: 8>, scalar_prefetch = 0 : i64, scratch_operands = 0 : i64, tpu.core_type = #tpu.core_type<tc>, window_params = [{transform_indices = @transform_0, window_bounds = array<i64: 1, 3, 224, 224>}, {pipeline_mode = #tpu.pipeline_mode<synchronous>, transform_indices = @transform_1, window_bounds = array<i64: 32, 27>}, {transform_indices = @transform_2, window_bounds = array<i64: 1, 1, 32>}, {transform_indices = @transform_3, window_bounds = array<i64: 1, 1, 32>}, {transform_indices = @transform_4, window_bounds = array<i64: 1, 32, 112, 112>}]} {
    %get3A = arith.constant 0 : index
    %get3A_0 = arith.constant 0 : index
    %get3A_1 = vector.load %arg2[%get3A, %get3A_0] : memref<32x27xf32, #tpu.memory_space<vmem>>, vector<32x27xf32>
    %convert_element_type3A = arith.truncf %get3A_1 : vector<32x27xf32> to vector<32x27xbf16>
    %convert_element_type3A_2 = arith.extf %convert_element_type3A : vector<32x27xbf16> to vector<32x27xf32>
    %iota3A = tpu.iota {dimensions = array<i32: 0>} : vector<224x112xi32>
    %iota3A_3 = tpu.iota {dimensions = array<i32: 1>} : vector<224x112xi32>
    %mul3A = arith.constant 2 : i32
    %mul3A_4 = vector.broadcast %mul3A : i32 to vector<224x112xi32>
    %mul3A_5 = arith.muli %mul3A_4, %iota3A_3 : vector<224x112xi32>
    %add3A = arith.constant 0 : i32
    %add3A_6 = vector.broadcast %add3A : i32 to vector<224x112xi32>
    %add3A_7 = arith.addi %mul3A_5, %add3A_6 : vector<224x112xi32>
    %eq3A = arith.cmpi eq, %iota3A, %add3A_7 : vector<224x112xi32>
    %convert_element_type3A_8 = arith.extui %eq3A : vector<224x112xi1> to vector<224x112xi32>
    %convert_element_type3A_9 = arith.sitofp %convert_element_type3A_8 : vector<224x112xi32> to vector<224x112xf32>
    %iota3A_10 = tpu.iota {dimensions = array<i32: 0>} : vector<224x112xi32>
    %iota3A_11 = tpu.iota {dimensions = array<i32: 1>} : vector<224x112xi32>
    %mul3A_12 = arith.constant 2 : i32
    %mul3A_13 = vector.broadcast %mul3A_12 : i32 to vector<224x112xi32>
    %mul3A_14 = arith.muli %mul3A_13, %iota3A_11 : vector<224x112xi32>
    %add3A_15 = arith.constant 1 : i32
    %add3A_16 = vector.broadcast %add3A_15 : i32 to vector<224x112xi32>
    %add3A_17 = arith.addi %mul3A_14, %add3A_16 : vector<224x112xi32>
    %eq3A_18 = arith.cmpi eq, %iota3A_10, %add3A_17 : vector<224x112xi32>
    %convert_element_type3A_19 = arith.extui %eq3A_18 : vector<224x112xi1> to vector<224x112xi32>
    %convert_element_type3A_20 = arith.sitofp %convert_element_type3A_19 : vector<224x112xi32> to vector<224x112xf32>
    %iota3A_21 = tpu.iota {dimensions = array<i32: 1>} : vector<112x224xi32>
    %iota3A_22 = tpu.iota {dimensions = array<i32: 0>} : vector<112x224xi32>
    %mul3A_23 = arith.constant 2 : i32
    %mul3A_24 = vector.broadcast %mul3A_23 : i32 to vector<112x224xi32>
    %mul3A_25 = arith.muli %mul3A_24, %iota3A_22 : vector<112x224xi32>
    %add3A_26 = arith.constant 0 : i32
    %add3A_27 = vector.broadcast %add3A_26 : i32 to vector<112x224xi32>
    %add3A_28 = arith.addi %mul3A_25, %add3A_27 : vector<112x224xi32>
    %eq3A_29 = arith.cmpi eq, %iota3A_21, %add3A_28 : vector<112x224xi32>
    %convert_element_type3A_30 = arith.extui %eq3A_29 : vector<112x224xi1> to vector<112x224xi32>
    %convert_element_type3A_31 = arith.sitofp %convert_element_type3A_30 : vector<112x224xi32> to vector<112x224xf32>
    %iota3A_32 = tpu.iota {dimensions = array<i32: 1>} : vector<112x224xi32>
    %iota3A_33 = tpu.iota {dimensions = array<i32: 0>} : vector<112x224xi32>
    %mul3A_34 = arith.constant 2 : i32
    %mul3A_35 = vector.broadcast %mul3A_34 : i32 to vector<112x224xi32>
    %mul3A_36 = arith.muli %mul3A_35, %iota3A_33 : vector<112x224xi32>
    %add3A_37 = arith.constant 1 : i32
    %add3A_38 = vector.broadcast %add3A_37 : i32 to vector<112x224xi32>
    %add3A_39 = arith.addi %mul3A_36, %add3A_38 : vector<112x224xi32>
    %eq3A_40 = arith.cmpi eq, %iota3A_32, %add3A_39 : vector<112x224xi32>
    %convert_element_type3A_41 = arith.extui %eq3A_40 : vector<112x224xi1> to vector<112x224xi32>
    %convert_element_type3A_42 = arith.sitofp %convert_element_type3A_41 : vector<112x224xi32> to vector<112x224xf32>
    %broadcast_in_dim3A = arith.constant 0.000000e+00 : f32
    %broadcast_in_dim3A_43 = vector.broadcast %broadcast_in_dim3A : f32 to vector<32x112x112xf32>
    %get3A_44 = arith.constant 0 : index
    %get3A_45 = arith.constant 0 : index
    %get3A_46 = arith.constant 0 : index
    %get3A_47 = arith.constant 0 : index
    %get3A_48 = vector.load %arg1[%get3A_44, %get3A_45, %get3A_46, %get3A_47] : memref<1x3x224x224xf32, #tpu.memory_space<vmem>>, vector<1x1x224x224xf32>
    %get3A_49 = vector.shape_cast %get3A_48 : vector<1x1x224x224xf32> to vector<224x224xf32>
    %dot_general3A = arith.constant dense<0.000000e+00> : vector<112x224xf32>
    %dot_general3A_50 = tpu.matmul %convert_element_type3A_31, %get3A_49, %dot_general3A {dimension_numbers = #tpu.dot_dimension_numbers<[1], [0], [0], [1], [0, 0, 1, 1], [], []>, transpose_lhs_hint = false} : vector<112x224xf32>, vector<224x224xf32>, vector<112x224xf32> -> vector<112x224xf32>
    %dot_general3A_51 = arith.constant dense<0.000000e+00> : vector<112x112xf32>
    %dot_general3A_52 = tpu.matmul %dot_general3A_50, %convert_element_type3A_9, %dot_general3A_51 {dimension_numbers = #tpu.dot_dimension_numbers<[1], [0], [0], [1], [0, 0, 1, 1], [], []>, transpose_lhs_hint = false} : vector<112x224xf32>, vector<224x112xf32>, vector<112x112xf32> -> vector<112x112xf32>
    %convert_element_type3A_53 = arith.truncf %dot_general3A_52 : vector<112x112xf32> to vector<112x112xbf16>
    %convert_element_type3A_54 = arith.extf %convert_element_type3A_53 : vector<112x112xbf16> to vector<112x112xf32>
    %dot_general3A_55 = arith.constant dense<0.000000e+00> : vector<112x112xf32>
    %dot_general3A_56 = tpu.matmul %dot_general3A_50, %convert_element_type3A_20, %dot_general3A_55 {dimension_numbers = #tpu.dot_dimension_numbers<[1], [0], [0], [1], [0, 0, 1, 1], [], []>, transpose_lhs_hint = false} : vector<112x224xf32>, vector<224x112xf32>, vector<112x112xf32> -> vector<112x112xf32>
    %convert_element_type3A_57 = arith.truncf %dot_general3A_56 : vector<112x112xf32> to vector<112x112xbf16>
    %convert_element_type3A_58 = arith.extf %convert_element_type3A_57 : vector<112x112xbf16> to vector<112x112xf32>
    %dot_general3A_59 = arith.constant dense<0.000000e+00> : vector<112x224xf32>
    %dot_general3A_60 = tpu.matmul %convert_element_type3A_42, %get3A_49, %dot_general3A_59 {dimension_numbers = #tpu.dot_dimension_numbers<[1], [0], [0], [1], [0, 0, 1, 1], [], []>, transpose_lhs_hint = false} : vector<112x224xf32>, vector<224x224xf32>, vector<112x224xf32> -> vector<112x224xf32>
    %dot_general3A_61 = arith.constant dense<0.000000e+00> : vector<112x112xf32>
    %dot_general3A_62 = tpu.matmul %dot_general3A_60, %convert_element_type3A_9, %dot_general3A_61 {dimension_numbers = #tpu.dot_dimension_numbers<[1], [0], [0], [1], [0, 0, 1, 1], [], []>, transpose_lhs_hint = false} : vector<112x224xf32>, vector<224x112xf32>, vector<112x112xf32> -> vector<112x112xf32>
    %convert_element_type3A_63 = arith.truncf %dot_general3A_62 : vector<112x112xf32> to vector<112x112xbf16>
    %convert_element_type3A_64 = arith.extf %convert_element_type3A_63 : vector<112x112xbf16> to vector<112x112xf32>
    %dot_general3A_65 = arith.constant dense<0.000000e+00> : vector<112x112xf32>
    %dot_general3A_66 = tpu.matmul %dot_general3A_60, %convert_element_type3A_20, %dot_general3A_65 {dimension_numbers = #tpu.dot_dimension_numbers<[1], [0], [0], [1], [0, 0, 1, 1], [], []>, transpose_lhs_hint = false} : vector<112x224xf32>, vector<224x112xf32>, vector<112x112xf32> -> vector<112x112xf32>
    %convert_element_type3A_67 = arith.truncf %dot_general3A_66 : vector<112x112xf32> to vector<112x112xbf16>
    %convert_element_type3A_68 = arith.extf %convert_element_type3A_67 : vector<112x112xbf16> to vector<112x112xf32>
    %slice3A = vector.extract_strided_slice %convert_element_type3A_2 {offsets = [0, 0], sizes = [32, 1], strides = [1, 1]} : vector<32x27xf32> to vector<32x1xf32>
    %squeeze3A = vector.shape_cast %slice3A : vector<32x1xf32> to vector<32xf32>
    %reshape3A = vector.shape_cast %squeeze3A : vector<32xf32> to vector<32x1x1xf32>
    %broadcast_in_dim3A_69 = vector.shape_cast %convert_element_type3A_54 : vector<112x112xf32> to vector<1x112x112xf32>
    %mul3A_70 = vector.broadcast %reshape3A : vector<32x1x1xf32> to vector<32x112x112xf32>
    %mul3A_71 = vector.broadcast %broadcast_in_dim3A_69 : vector<1x112x112xf32> to vector<32x112x112xf32>
    %mul3A_72 = arith.mulf %mul3A_70, %mul3A_71 : vector<32x112x112xf32>
    %add3A_73 = arith.addf %broadcast_in_dim3A_43, %mul3A_72 : vector<32x112x112xf32>
    %slice3A_74 = vector.extract_strided_slice %convert_element_type3A_2 {offsets = [0, 1], sizes = [32, 1], strides = [1, 1]} : vector<32x27xf32> to vector<32x1xf32>
    %squeeze3A_75 = vector.shape_cast %slice3A_74 : vector<32x1xf32> to vector<32xf32>
    %reshape3A_76 = vector.shape_cast %squeeze3A_75 : vector<32xf32> to vector<32x1x1xf32>
    %broadcast_in_dim3A_77 = vector.shape_cast %convert_element_type3A_58 : vector<112x112xf32> to vector<1x112x112xf32>
    %mul3A_78 = vector.broadcast %reshape3A_76 : vector<32x1x1xf32> to vector<32x112x112xf32>
    %mul3A_79 = vector.broadcast %broadcast_in_dim3A_77 : vector<1x112x112xf32> to vector<32x112x112xf32>
    %mul3A_80 = arith.mulf %mul3A_78, %mul3A_79 : vector<32x112x112xf32>
    %add3A_81 = arith.addf %add3A_73, %mul3A_80 : vector<32x112x112xf32>
    %slice3A_82 = vector.extract_strided_slice %convert_element_type3A_54 {offsets = [0, 1], sizes = [112, 111], strides = [1, 1]} : vector<112x112xf32> to vector<112x111xf32>
    %broadcast_in_dim3A_83 = arith.constant 0.000000e+00 : f32
    %broadcast_in_dim3A_84 = vector.broadcast %broadcast_in_dim3A_83 : f32 to vector<112x1xf32>
    %concatenate3A = tpu.concatenate %slice3A_82, %broadcast_in_dim3A_84 in 1 : vector<112x111xf32>, vector<112x1xf32> -> vector<112x112xf32>
    %slice3A_85 = vector.extract_strided_slice %convert_element_type3A_2 {offsets = [0, 2], sizes = [32, 1], strides = [1, 1]} : vector<32x27xf32> to vector<32x1xf32>
    %squeeze3A_86 = vector.shape_cast %slice3A_85 : vector<32x1xf32> to vector<32xf32>
    %reshape3A_87 = vector.shape_cast %squeeze3A_86 : vector<32xf32> to vector<32x1x1xf32>
    %broadcast_in_dim3A_88 = vector.shape_cast %concatenate3A : vector<112x112xf32> to vector<1x112x112xf32>
    %mul3A_89 = vector.broadcast %reshape3A_87 : vector<32x1x1xf32> to vector<32x112x112xf32>
    %mul3A_90 = vector.broadcast %broadcast_in_dim3A_88 : vector<1x112x112xf32> to vector<32x112x112xf32>
    %mul3A_91 = arith.mulf %mul3A_89, %mul3A_90 : vector<32x112x112xf32>
    %add3A_92 = arith.addf %add3A_81, %mul3A_91 : vector<32x112x112xf32>
    %slice3A_93 = vector.extract_strided_slice %convert_element_type3A_2 {offsets = [0, 3], sizes = [32, 1], strides = [1, 1]} : vector<32x27xf32> to vector<32x1xf32>
    %squeeze3A_94 = vector.shape_cast %slice3A_93 : vector<32x1xf32> to vector<32xf32>
    %reshape3A_95 = vector.shape_cast %squeeze3A_94 : vector<32xf32> to vector<32x1x1xf32>
    %broadcast_in_dim3A_96 = vector.shape_cast %convert_element_type3A_64 : vector<112x112xf32> to vector<1x112x112xf32>
    %mul3A_97 = vector.broadcast %reshape3A_95 : vector<32x1x1xf32> to vector<32x112x112xf32>
    %mul3A_98 = vector.broadcast %broadcast_in_dim3A_96 : vector<1x112x112xf32> to vector<32x112x112xf32>
    %mul3A_99 = arith.mulf %mul3A_97, %mul3A_98 : vector<32x112x112xf32>
    %add3A_100 = arith.addf %add3A_92, %mul3A_99 : vector<32x112x112xf32>
    %slice3A_101 = vector.extract_strided_slice %convert_element_type3A_2 {offsets = [0, 4], sizes = [32, 1], strides = [1, 1]} : vector<32x27xf32> to vector<32x1xf32>
    %squeeze3A_102 = vector.shape_cast %slice3A_101 : vector<32x1xf32> to vector<32xf32>
    %reshape3A_103 = vector.shape_cast %squeeze3A_102 : vector<32xf32> to vector<32x1x1xf32>
    %broadcast_in_dim3A_104 = vector.shape_cast %convert_element_type3A_68 : vector<112x112xf32> to vector<1x112x112xf32>
    %mul3A_105 = vector.broadcast %reshape3A_103 : vector<32x1x1xf32> to vector<32x112x112xf32>
    %mul3A_106 = vector.broadcast %broadcast_in_dim3A_104 : vector<1x112x112xf32> to vector<32x112x112xf32>
    %mul3A_107 = arith.mulf %mul3A_105, %mul3A_106 : vector<32x112x112xf32>
    %add3A_108 = arith.addf %add3A_100, %mul3A_107 : vector<32x112x112xf32>
    %slice3A_109 = vector.extract_strided_slice %convert_element_type3A_64 {offsets = [0, 1], sizes = [112, 111], strides = [1, 1]} : vector<112x112xf32> to vector<112x111xf32>
    %broadcast_in_dim3A_110 = arith.constant 0.000000e+00 : f32
    %broadcast_in_dim3A_111 = vector.broadcast %broadcast_in_dim3A_110 : f32 to vector<112x1xf32>
    %concatenate3A_112 = tpu.concatenate %slice3A_109, %broadcast_in_dim3A_111 in 1 : vector<112x111xf32>, vector<112x1xf32> -> vector<112x112xf32>
    %slice3A_113 = vector.extract_strided_slice %convert_element_type3A_2 {offsets = [0, 5], sizes = [32, 1], strides = [1, 1]} : vector<32x27xf32> to vector<32x1xf32>
    %squeeze3A_114 = vector.shape_cast %slice3A_113 : vector<32x1xf32> to vector<32xf32>
    %reshape3A_115 = vector.shape_cast %squeeze3A_114 : vector<32xf32> to vector<32x1x1xf32>
    %broadcast_in_dim3A_116 = vector.shape_cast %concatenate3A_112 : vector<112x112xf32> to vector<1x112x112xf32>
    %mul3A_117 = vector.broadcast %reshape3A_115 : vector<32x1x1xf32> to vector<32x112x112xf32>
    %mul3A_118 = vector.broadcast %broadcast_in_dim3A_116 : vector<1x112x112xf32> to vector<32x112x112xf32>
    %mul3A_119 = arith.mulf %mul3A_117, %mul3A_118 : vector<32x112x112xf32>
    %add3A_120 = arith.addf %add3A_108, %mul3A_119 : vector<32x112x112xf32>
    %slice3A_121 = vector.extract_strided_slice %convert_element_type3A_54 {offsets = [1, 0], sizes = [111, 112], strides = [1, 1]} : vector<112x112xf32> to vector<111x112xf32>
    %broadcast_in_dim3A_122 = arith.constant 0.000000e+00 : f32
    %broadcast_in_dim3A_123 = vector.broadcast %broadcast_in_dim3A_122 : f32 to vector<1x112xf32>
    %concatenate3A_124 = tpu.concatenate %slice3A_121, %broadcast_in_dim3A_123 in 0 : vector<111x112xf32>, vector<1x112xf32> -> vector<112x112xf32>
    %slice3A_125 = vector.extract_strided_slice %convert_element_type3A_2 {offsets = [0, 6], sizes = [32, 1], strides = [1, 1]} : vector<32x27xf32> to vector<32x1xf32>
    %squeeze3A_126 = vector.shape_cast %slice3A_125 : vector<32x1xf32> to vector<32xf32>
    %reshape3A_127 = vector.shape_cast %squeeze3A_126 : vector<32xf32> to vector<32x1x1xf32>
    %broadcast_in_dim3A_128 = vector.shape_cast %concatenate3A_124 : vector<112x112xf32> to vector<1x112x112xf32>
    %mul3A_129 = vector.broadcast %reshape3A_127 : vector<32x1x1xf32> to vector<32x112x112xf32>
    %mul3A_130 = vector.broadcast %broadcast_in_dim3A_128 : vector<1x112x112xf32> to vector<32x112x112xf32>
    %mul3A_131 = arith.mulf %mul3A_129, %mul3A_130 : vector<32x112x112xf32>
    %add3A_132 = arith.addf %add3A_120, %mul3A_131 : vector<32x112x112xf32>
    %slice3A_133 = vector.extract_strided_slice %convert_element_type3A_58 {offsets = [1, 0], sizes = [111, 112], strides = [1, 1]} : vector<112x112xf32> to vector<111x112xf32>
    %broadcast_in_dim3A_134 = arith.constant 0.000000e+00 : f32
    %broadcast_in_dim3A_135 = vector.broadcast %broadcast_in_dim3A_134 : f32 to vector<1x112xf32>
    %concatenate3A_136 = tpu.concatenate %slice3A_133, %broadcast_in_dim3A_135 in 0 : vector<111x112xf32>, vector<1x112xf32> -> vector<112x112xf32>
    %slice3A_137 = vector.extract_strided_slice %convert_element_type3A_2 {offsets = [0, 7], sizes = [32, 1], strides = [1, 1]} : vector<32x27xf32> to vector<32x1xf32>
    %squeeze3A_138 = vector.shape_cast %slice3A_137 : vector<32x1xf32> to vector<32xf32>
    %reshape3A_139 = vector.shape_cast %squeeze3A_138 : vector<32xf32> to vector<32x1x1xf32>
    %broadcast_in_dim3A_140 = vector.shape_cast %concatenate3A_136 : vector<112x112xf32> to vector<1x112x112xf32>
    %mul3A_141 = vector.broadcast %reshape3A_139 : vector<32x1x1xf32> to vector<32x112x112xf32>
    %mul3A_142 = vector.broadcast %broadcast_in_dim3A_140 : vector<1x112x112xf32> to vector<32x112x112xf32>
    %mul3A_143 = arith.mulf %mul3A_141, %mul3A_142 : vector<32x112x112xf32>
    %add3A_144 = arith.addf %add3A_132, %mul3A_143 : vector<32x112x112xf32>
    %slice3A_145 = vector.extract_strided_slice %convert_element_type3A_54 {offsets = [1, 0], sizes = [111, 112], strides = [1, 1]} : vector<112x112xf32> to vector<111x112xf32>
    %broadcast_in_dim3A_146 = arith.constant 0.000000e+00 : f32
    %broadcast_in_dim3A_147 = vector.broadcast %broadcast_in_dim3A_146 : f32 to vector<1x112xf32>
    %concatenate3A_148 = tpu.concatenate %slice3A_145, %broadcast_in_dim3A_147 in 0 : vector<111x112xf32>, vector<1x112xf32> -> vector<112x112xf32>
    %slice3A_149 = vector.extract_strided_slice %concatenate3A_148 {offsets = [0, 1], sizes = [112, 111], strides = [1, 1]} : vector<112x112xf32> to vector<112x111xf32>
    %broadcast_in_dim3A_150 = arith.constant 0.000000e+00 : f32
    %broadcast_in_dim3A_151 = vector.broadcast %broadcast_in_dim3A_150 : f32 to vector<112x1xf32>
    %concatenate3A_152 = tpu.concatenate %slice3A_149, %broadcast_in_dim3A_151 in 1 : vector<112x111xf32>, vector<112x1xf32> -> vector<112x112xf32>
    %slice3A_153 = vector.extract_strided_slice %convert_element_type3A_2 {offsets = [0, 8], sizes = [32, 1], strides = [1, 1]} : vector<32x27xf32> to vector<32x1xf32>
    %squeeze3A_154 = vector.shape_cast %slice3A_153 : vector<32x1xf32> to vector<32xf32>
    %reshape3A_155 = vector.shape_cast %squeeze3A_154 : vector<32xf32> to vector<32x1x1xf32>
    %broadcast_in_dim3A_156 = vector.shape_cast %concatenate3A_152 : vector<112x112xf32> to vector<1x112x112xf32>
    %mul3A_157 = vector.broadcast %reshape3A_155 : vector<32x1x1xf32> to vector<32x112x112xf32>
    %mul3A_158 = vector.broadcast %broadcast_in_dim3A_156 : vector<1x112x112xf32> to vector<32x112x112xf32>
    %mul3A_159 = arith.mulf %mul3A_157, %mul3A_158 : vector<32x112x112xf32>
    %add3A_160 = arith.addf %add3A_144, %mul3A_159 : vector<32x112x112xf32>
    %get3A_161 = arith.constant 0 : index
    %get3A_162 = arith.constant 1 : index
    %get3A_163 = arith.constant 0 : index
    %get3A_164 = arith.constant 0 : index
    %get3A_165 = vector.load %arg1[%get3A_161, %get3A_162, %get3A_163, %get3A_164] : memref<1x3x224x224xf32, #tpu.memory_space<vmem>>, vector<1x1x224x224xf32>
    %get3A_166 = vector.shape_cast %get3A_165 : vector<1x1x224x224xf32> to vector<224x224xf32>
    %dot_general3A_167 = arith.constant dense<0.000000e+00> : vector<112x224xf32>
    %dot_general3A_168 = tpu.matmul %convert_element_type3A_31, %get3A_166, %dot_general3A_167 {dimension_numbers = #tpu.dot_dimension_numbers<[1], [0], [0], [1], [0, 0, 1, 1], [], []>, transpose_lhs_hint = false} : vector<112x224xf32>, vector<224x224xf32>, vector<112x224xf32> -> vector<112x224xf32>
    %dot_general3A_169 = arith.constant dense<0.000000e+00> : vector<112x112xf32>
    %dot_general3A_170 = tpu.matmul %dot_general3A_168, %convert_element_type3A_9, %dot_general3A_169 {dimension_numbers = #tpu.dot_dimension_numbers<[1], [0], [0], [1], [0, 0, 1, 1], [], []>, transpose_lhs_hint = false} : vector<112x224xf32>, vector<224x112xf32>, vector<112x112xf32> -> vector<112x112xf32>
    %convert_element_type3A_171 = arith.truncf %dot_general3A_170 : vector<112x112xf32> to vector<112x112xbf16>
    %convert_element_type3A_172 = arith.extf %convert_element_type3A_171 : vector<112x112xbf16> to vector<112x112xf32>
    %dot_general3A_173 = arith.constant dense<0.000000e+00> : vector<112x112xf32>
    %dot_general3A_174 = tpu.matmul %dot_general3A_168, %convert_element_type3A_20, %dot_general3A_173 {dimension_numbers = #tpu.dot_dimension_numbers<[1], [0], [0], [1], [0, 0, 1, 1], [], []>, transpose_lhs_hint = false} : vector<112x224xf32>, vector<224x112xf32>, vector<112x112xf32> -> vector<112x112xf32>
    %convert_element_type3A_175 = arith.truncf %dot_general3A_174 : vector<112x112xf32> to vector<112x112xbf16>
    %convert_element_type3A_176 = arith.extf %convert_element_type3A_175 : vector<112x112xbf16> to vector<112x112xf32>
    %dot_general3A_177 = arith.constant dense<0.000000e+00> : vector<112x224xf32>
    %dot_general3A_178 = tpu.matmul %convert_element_type3A_42, %get3A_166, %dot_general3A_177 {dimension_numbers = #tpu.dot_dimension_numbers<[1], [0], [0], [1], [0, 0, 1, 1], [], []>, transpose_lhs_hint = false} : vector<112x224xf32>, vector<224x224xf32>, vector<112x224xf32> -> vector<112x224xf32>
    %dot_general3A_179 = arith.constant dense<0.000000e+00> : vector<112x112xf32>
    %dot_general3A_180 = tpu.matmul %dot_general3A_178, %convert_element_type3A_9, %dot_general3A_179 {dimension_numbers = #tpu.dot_dimension_numbers<[1], [0], [0], [1], [0, 0, 1, 1], [], []>, transpose_lhs_hint = false} : vector<112x224xf32>, vector<224x112xf32>, vector<112x112xf32> -> vector<112x112xf32>
    %convert_element_type3A_181 = arith.truncf %dot_general3A_180 : vector<112x112xf32> to vector<112x112xbf16>
    %convert_element_type3A_182 = arith.extf %convert_element_type3A_181 : vector<112x112xbf16> to vector<112x112xf32>
    %dot_general3A_183 = arith.constant dense<0.000000e+00> : vector<112x112xf32>
    %dot_general3A_184 = tpu.matmul %dot_general3A_178, %convert_element_type3A_20, %dot_general3A_183 {dimension_numbers = #tpu.dot_dimension_numbers<[1], [0], [0], [1], [0, 0, 1, 1], [], []>, transpose_lhs_hint = false} : vector<112x224xf32>, vector<224x112xf32>, vector<112x112xf32> -> vector<112x112xf32>
    %convert_element_type3A_185 = arith.truncf %dot_general3A_184 : vector<112x112xf32> to vector<112x112xbf16>
    %convert_element_type3A_186 = arith.extf %convert_element_type3A_185 : vector<112x112xbf16> to vector<112x112xf32>
    %slice3A_187 = vector.extract_strided_slice %convert_element_type3A_2 {offsets = [0, 9], sizes = [32, 1], strides = [1, 1]} : vector<32x27xf32> to vector<32x1xf32>
    %squeeze3A_188 = vector.shape_cast %slice3A_187 : vector<32x1xf32> to vector<32xf32>
    %reshape3A_189 = vector.shape_cast %squeeze3A_188 : vector<32xf32> to vector<32x1x1xf32>
    %broadcast_in_dim3A_190 = vector.shape_cast %convert_element_type3A_172 : vector<112x112xf32> to vector<1x112x112xf32>
    %mul3A_191 = vector.broadcast %reshape3A_189 : vector<32x1x1xf32> to vector<32x112x112xf32>
    %mul3A_192 = vector.broadcast %broadcast_in_dim3A_190 : vector<1x112x112xf32> to vector<32x112x112xf32>
    %mul3A_193 = arith.mulf %mul3A_191, %mul3A_192 : vector<32x112x112xf32>
    %add3A_194 = arith.addf %add3A_160, %mul3A_193 : vector<32x112x112xf32>
    %slice3A_195 = vector.extract_strided_slice %convert_element_type3A_2 {offsets = [0, 10], sizes = [32, 1], strides = [1, 1]} : vector<32x27xf32> to vector<32x1xf32>
    %squeeze3A_196 = vector.shape_cast %slice3A_195 : vector<32x1xf32> to vector<32xf32>
    %reshape3A_197 = vector.shape_cast %squeeze3A_196 : vector<32xf32> to vector<32x1x1xf32>
    %broadcast_in_dim3A_198 = vector.shape_cast %convert_element_type3A_176 : vector<112x112xf32> to vector<1x112x112xf32>
    %mul3A_199 = vector.broadcast %reshape3A_197 : vector<32x1x1xf32> to vector<32x112x112xf32>
    %mul3A_200 = vector.broadcast %broadcast_in_dim3A_198 : vector<1x112x112xf32> to vector<32x112x112xf32>
    %mul3A_201 = arith.mulf %mul3A_199, %mul3A_200 : vector<32x112x112xf32>
    %add3A_202 = arith.addf %add3A_194, %mul3A_201 : vector<32x112x112xf32>
    %slice3A_203 = vector.extract_strided_slice %convert_element_type3A_172 {offsets = [0, 1], sizes = [112, 111], strides = [1, 1]} : vector<112x112xf32> to vector<112x111xf32>
    %broadcast_in_dim3A_204 = arith.constant 0.000000e+00 : f32
    %broadcast_in_dim3A_205 = vector.broadcast %broadcast_in_dim3A_204 : f32 to vector<112x1xf32>
    %concatenate3A_206 = tpu.concatenate %slice3A_203, %broadcast_in_dim3A_205 in 1 : vector<112x111xf32>, vector<112x1xf32> -> vector<112x112xf32>
    %slice3A_207 = vector.extract_strided_slice %convert_element_type3A_2 {offsets = [0, 11], sizes = [32, 1], strides = [1, 1]} : vector<32x27xf32> to vector<32x1xf32>
    %squeeze3A_208 = vector.shape_cast %slice3A_207 : vector<32x1xf32> to vector<32xf32>
    %reshape3A_209 = vector.shape_cast %squeeze3A_208 : vector<32xf32> to vector<32x1x1xf32>
    %broadcast_in_dim3A_210 = vector.shape_cast %concatenate3A_206 : vector<112x112xf32> to vector<1x112x112xf32>
    %mul3A_211 = vector.broadcast %reshape3A_209 : vector<32x1x1xf32> to vector<32x112x112xf32>
    %mul3A_212 = vector.broadcast %broadcast_in_dim3A_210 : vector<1x112x112xf32> to vector<32x112x112xf32>
    %mul3A_213 = arith.mulf %mul3A_211, %mul3A_212 : vector<32x112x112xf32>
    %add3A_214 = arith.addf %add3A_202, %mul3A_213 : vector<32x112x112xf32>
    %slice3A_215 = vector.extract_strided_slice %convert_element_type3A_2 {offsets = [0, 12], sizes = [32, 1], strides = [1, 1]} : vector<32x27xf32> to vector<32x1xf32>
    %squeeze3A_216 = vector.shape_cast %slice3A_215 : vector<32x1xf32> to vector<32xf32>
    %reshape3A_217 = vector.shape_cast %squeeze3A_216 : vector<32xf32> to vector<32x1x1xf32>
    %broadcast_in_dim3A_218 = vector.shape_cast %convert_element_type3A_182 : vector<112x112xf32> to vector<1x112x112xf32>
    %mul3A_219 = vector.broadcast %reshape3A_217 : vector<32x1x1xf32> to vector<32x112x112xf32>
    %mul3A_220 = vector.broadcast %broadcast_in_dim3A_218 : vector<1x112x112xf32> to vector<32x112x112xf32>
    %mul3A_221 = arith.mulf %mul3A_219, %mul3A_220 : vector<32x112x112xf32>
    %add3A_222 = arith.addf %add3A_214, %mul3A_221 : vector<32x112x112xf32>
    %slice3A_223 = vector.extract_strided_slice %convert_element_type3A_2 {offsets = [0, 13], sizes = [32, 1], strides = [1, 1]} : vector<32x27xf32> to vector<32x1xf32>
    %squeeze3A_224 = vector.shape_cast %slice3A_223 : vector<32x1xf32> to vector<32xf32>
    %reshape3A_225 = vector.shape_cast %squeeze3A_224 : vector<32xf32> to vector<32x1x1xf32>
    %broadcast_in_dim3A_226 = vector.shape_cast %convert_element_type3A_186 : vector<112x112xf32> to vector<1x112x112xf32>
    %mul3A_227 = vector.broadcast %reshape3A_225 : vector<32x1x1xf32> to vector<32x112x112xf32>
    %mul3A_228 = vector.broadcast %broadcast_in_dim3A_226 : vector<1x112x112xf32> to vector<32x112x112xf32>
    %mul3A_229 = arith.mulf %mul3A_227, %mul3A_228 : vector<32x112x112xf32>
    %add3A_230 = arith.addf %add3A_222, %mul3A_229 : vector<32x112x112xf32>
    %slice3A_231 = vector.extract_strided_slice %convert_element_type3A_182 {offsets = [0, 1], sizes = [112, 111], strides = [1, 1]} : vector<112x112xf32> to vector<112x111xf32>
    %broadcast_in_dim3A_232 = arith.constant 0.000000e+00 : f32
    %broadcast_in_dim3A_233 = vector.broadcast %broadcast_in_dim3A_232 : f32 to vector<112x1xf32>
    %concatenate3A_234 = tpu.concatenate %slice3A_231, %broadcast_in_dim3A_233 in 1 : vector<112x111xf32>, vector<112x1xf32> -> vector<112x112xf32>
    %slice3A_235 = vector.extract_strided_slice %convert_element_type3A_2 {offsets = [0, 14], sizes = [32, 1], strides = [1, 1]} : vector<32x27xf32> to vector<32x1xf32>
    %squeeze3A_236 = vector.shape_cast %slice3A_235 : vector<32x1xf32> to vector<32xf32>
    %reshape3A_237 = vector.shape_cast %squeeze3A_236 : vector<32xf32> to vector<32x1x1xf32>
    %broadcast_in_dim3A_238 = vector.shape_cast %concatenate3A_234 : vector<112x112xf32> to vector<1x112x112xf32>
    %mul3A_239 = vector.broadcast %reshape3A_237 : vector<32x1x1xf32> to vector<32x112x112xf32>
    %mul3A_240 = vector.broadcast %broadcast_in_dim3A_238 : vector<1x112x112xf32> to vector<32x112x112xf32>
    %mul3A_241 = arith.mulf %mul3A_239, %mul3A_240 : vector<32x112x112xf32>
    %add3A_242 = arith.addf %add3A_230, %mul3A_241 : vector<32x112x112xf32>
    %slice3A_243 = vector.extract_strided_slice %convert_element_type3A_172 {offsets = [1, 0], sizes = [111, 112], strides = [1, 1]} : vector<112x112xf32> to vector<111x112xf32>
    %broadcast_in_dim3A_244 = arith.constant 0.000000e+00 : f32
    %broadcast_in_dim3A_245 = vector.broadcast %broadcast_in_dim3A_244 : f32 to vector<1x112xf32>
    %concatenate3A_246 = tpu.concatenate %slice3A_243, %broadcast_in_dim3A_245 in 0 : vector<111x112xf32>, vector<1x112xf32> -> vector<112x112xf32>
    %slice3A_247 = vector.extract_strided_slice %convert_element_type3A_2 {offsets = [0, 15], sizes = [32, 1], strides = [1, 1]} : vector<32x27xf32> to vector<32x1xf32>
    %squeeze3A_248 = vector.shape_cast %slice3A_247 : vector<32x1xf32> to vector<32xf32>
    %reshape3A_249 = vector.shape_cast %squeeze3A_248 : vector<32xf32> to vector<32x1x1xf32>
    %broadcast_in_dim3A_250 = vector.shape_cast %concatenate3A_246 : vector<112x112xf32> to vector<1x112x112xf32>
    %mul3A_251 = vector.broadcast %reshape3A_249 : vector<32x1x1xf32> to vector<32x112x112xf32>
    %mul3A_252 = vector.broadcast %broadcast_in_dim3A_250 : vector<1x112x112xf32> to vector<32x112x112xf32>
    %mul3A_253 = arith.mulf %mul3A_251, %mul3A_252 : vector<32x112x112xf32>
    %add3A_254 = arith.addf %add3A_242, %mul3A_253 : vector<32x112x112xf32>
    %slice3A_255 = vector.extract_strided_slice %convert_element_type3A_176 {offsets = [1, 0], sizes = [111, 112], strides = [1, 1]} : vector<112x112xf32> to vector<111x112xf32>
    %broadcast_in_dim3A_256 = arith.constant 0.000000e+00 : f32
    %broadcast_in_dim3A_257 = vector.broadcast %broadcast_in_dim3A_256 : f32 to vector<1x112xf32>
    %concatenate3A_258 = tpu.concatenate %slice3A_255, %broadcast_in_dim3A_257 in 0 : vector<111x112xf32>, vector<1x112xf32> -> vector<112x112xf32>
    %slice3A_259 = vector.extract_strided_slice %convert_element_type3A_2 {offsets = [0, 16], sizes = [32, 1], strides = [1, 1]} : vector<32x27xf32> to vector<32x1xf32>
    %squeeze3A_260 = vector.shape_cast %slice3A_259 : vector<32x1xf32> to vector<32xf32>
    %reshape3A_261 = vector.shape_cast %squeeze3A_260 : vector<32xf32> to vector<32x1x1xf32>
    %broadcast_in_dim3A_262 = vector.shape_cast %concatenate3A_258 : vector<112x112xf32> to vector<1x112x112xf32>
    %mul3A_263 = vector.broadcast %reshape3A_261 : vector<32x1x1xf32> to vector<32x112x112xf32>
    %mul3A_264 = vector.broadcast %broadcast_in_dim3A_262 : vector<1x112x112xf32> to vector<32x112x112xf32>
    %mul3A_265 = arith.mulf %mul3A_263, %mul3A_264 : vector<32x112x112xf32>
    %add3A_266 = arith.addf %add3A_254, %mul3A_265 : vector<32x112x112xf32>
    %slice3A_267 = vector.extract_strided_slice %convert_element_type3A_172 {offsets = [1, 0], sizes = [111, 112], strides = [1, 1]} : vector<112x112xf32> to vector<111x112xf32>
    %broadcast_in_dim3A_268 = arith.constant 0.000000e+00 : f32
    %broadcast_in_dim3A_269 = vector.broadcast %broadcast_in_dim3A_268 : f32 to vector<1x112xf32>
    %concatenate3A_270 = tpu.concatenate %slice3A_267, %broadcast_in_dim3A_269 in 0 : vector<111x112xf32>, vector<1x112xf32> -> vector<112x112xf32>
    %slice3A_271 = vector.extract_strided_slice %concatenate3A_270 {offsets = [0, 1], sizes = [112, 111], strides = [1, 1]} : vector<112x112xf32> to vector<112x111xf32>
    %broadcast_in_dim3A_272 = arith.constant 0.000000e+00 : f32
    %broadcast_in_dim3A_273 = vector.broadcast %broadcast_in_dim3A_272 : f32 to vector<112x1xf32>
    %concatenate3A_274 = tpu.concatenate %slice3A_271, %broadcast_in_dim3A_273 in 1 : vector<112x111xf32>, vector<112x1xf32> -> vector<112x112xf32>
    %slice3A_275 = vector.extract_strided_slice %convert_element_type3A_2 {offsets = [0, 17], sizes = [32, 1], strides = [1, 1]} : vector<32x27xf32> to vector<32x1xf32>
    %squeeze3A_276 = vector.shape_cast %slice3A_275 : vector<32x1xf32> to vector<32xf32>
    %reshape3A_277 = vector.shape_cast %squeeze3A_276 : vector<32xf32> to vector<32x1x1xf32>
    %broadcast_in_dim3A_278 = vector.shape_cast %concatenate3A_274 : vector<112x112xf32> to vector<1x112x112xf32>
    %mul3A_279 = vector.broadcast %reshape3A_277 : vector<32x1x1xf32> to vector<32x112x112xf32>
    %mul3A_280 = vector.broadcast %broadcast_in_dim3A_278 : vector<1x112x112xf32> to vector<32x112x112xf32>
    %mul3A_281 = arith.mulf %mul3A_279, %mul3A_280 : vector<32x112x112xf32>
    %add3A_282 = arith.addf %add3A_266, %mul3A_281 : vector<32x112x112xf32>
    %get3A_283 = arith.constant 0 : index
    %get3A_284 = arith.constant 2 : index
    %get3A_285 = arith.constant 0 : index
    %get3A_286 = arith.constant 0 : index
    %get3A_287 = vector.load %arg1[%get3A_283, %get3A_284, %get3A_285, %get3A_286] : memref<1x3x224x224xf32, #tpu.memory_space<vmem>>, vector<1x1x224x224xf32>
    %get3A_288 = vector.shape_cast %get3A_287 : vector<1x1x224x224xf32> to vector<224x224xf32>
    %dot_general3A_289 = arith.constant dense<0.000000e+00> : vector<112x224xf32>
    %dot_general3A_290 = tpu.matmul %convert_element_type3A_31, %get3A_288, %dot_general3A_289 {dimension_numbers = #tpu.dot_dimension_numbers<[1], [0], [0], [1], [0, 0, 1, 1], [], []>, transpose_lhs_hint = false} : vector<112x224xf32>, vector<224x224xf32>, vector<112x224xf32> -> vector<112x224xf32>
    %dot_general3A_291 = arith.constant dense<0.000000e+00> : vector<112x112xf32>
    %dot_general3A_292 = tpu.matmul %dot_general3A_290, %convert_element_type3A_9, %dot_general3A_291 {dimension_numbers = #tpu.dot_dimension_numbers<[1], [0], [0], [1], [0, 0, 1, 1], [], []>, transpose_lhs_hint = false} : vector<112x224xf32>, vector<224x112xf32>, vector<112x112xf32> -> vector<112x112xf32>
    %convert_element_type3A_293 = arith.truncf %dot_general3A_292 : vector<112x112xf32> to vector<112x112xbf16>
    %convert_element_type3A_294 = arith.extf %convert_element_type3A_293 : vector<112x112xbf16> to vector<112x112xf32>
    %dot_general3A_295 = arith.constant dense<0.000000e+00> : vector<112x112xf32>
    %dot_general3A_296 = tpu.matmul %dot_general3A_290, %convert_element_type3A_20, %dot_general3A_295 {dimension_numbers = #tpu.dot_dimension_numbers<[1], [0], [0], [1], [0, 0, 1, 1], [], []>, transpose_lhs_hint = false} : vector<112x224xf32>, vector<224x112xf32>, vector<112x112xf32> -> vector<112x112xf32>
    %convert_element_type3A_297 = arith.truncf %dot_general3A_296 : vector<112x112xf32> to vector<112x112xbf16>
    %convert_element_type3A_298 = arith.extf %convert_element_type3A_297 : vector<112x112xbf16> to vector<112x112xf32>
    %dot_general3A_299 = arith.constant dense<0.000000e+00> : vector<112x224xf32>
    %dot_general3A_300 = tpu.matmul %convert_element_type3A_42, %get3A_288, %dot_general3A_299 {dimension_numbers = #tpu.dot_dimension_numbers<[1], [0], [0], [1], [0, 0, 1, 1], [], []>, transpose_lhs_hint = false} : vector<112x224xf32>, vector<224x224xf32>, vector<112x224xf32> -> vector<112x224xf32>
    %dot_general3A_301 = arith.constant dense<0.000000e+00> : vector<112x112xf32>
    %dot_general3A_302 = tpu.matmul %dot_general3A_300, %convert_element_type3A_9, %dot_general3A_301 {dimension_numbers = #tpu.dot_dimension_numbers<[1], [0], [0], [1], [0, 0, 1, 1], [], []>, transpose_lhs_hint = false} : vector<112x224xf32>, vector<224x112xf32>, vector<112x112xf32> -> vector<112x112xf32>
    %convert_element_type3A_303 = arith.truncf %dot_general3A_302 : vector<112x112xf32> to vector<112x112xbf16>
    %convert_element_type3A_304 = arith.extf %convert_element_type3A_303 : vector<112x112xbf16> to vector<112x112xf32>
    %dot_general3A_305 = arith.constant dense<0.000000e+00> : vector<112x112xf32>
    %dot_general3A_306 = tpu.matmul %dot_general3A_300, %convert_element_type3A_20, %dot_general3A_305 {dimension_numbers = #tpu.dot_dimension_numbers<[1], [0], [0], [1], [0, 0, 1, 1], [], []>, transpose_lhs_hint = false} : vector<112x224xf32>, vector<224x112xf32>, vector<112x112xf32> -> vector<112x112xf32>
    %convert_element_type3A_307 = arith.truncf %dot_general3A_306 : vector<112x112xf32> to vector<112x112xbf16>
    %convert_element_type3A_308 = arith.extf %convert_element_type3A_307 : vector<112x112xbf16> to vector<112x112xf32>
    %slice3A_309 = vector.extract_strided_slice %convert_element_type3A_2 {offsets = [0, 18], sizes = [32, 1], strides = [1, 1]} : vector<32x27xf32> to vector<32x1xf32>
    %squeeze3A_310 = vector.shape_cast %slice3A_309 : vector<32x1xf32> to vector<32xf32>
    %reshape3A_311 = vector.shape_cast %squeeze3A_310 : vector<32xf32> to vector<32x1x1xf32>
    %broadcast_in_dim3A_312 = vector.shape_cast %convert_element_type3A_294 : vector<112x112xf32> to vector<1x112x112xf32>
    %mul3A_313 = vector.broadcast %reshape3A_311 : vector<32x1x1xf32> to vector<32x112x112xf32>
    %mul3A_314 = vector.broadcast %broadcast_in_dim3A_312 : vector<1x112x112xf32> to vector<32x112x112xf32>
    %mul3A_315 = arith.mulf %mul3A_313, %mul3A_314 : vector<32x112x112xf32>
    %add3A_316 = arith.addf %add3A_282, %mul3A_315 : vector<32x112x112xf32>
    %slice3A_317 = vector.extract_strided_slice %convert_element_type3A_2 {offsets = [0, 19], sizes = [32, 1], strides = [1, 1]} : vector<32x27xf32> to vector<32x1xf32>
    %squeeze3A_318 = vector.shape_cast %slice3A_317 : vector<32x1xf32> to vector<32xf32>
    %reshape3A_319 = vector.shape_cast %squeeze3A_318 : vector<32xf32> to vector<32x1x1xf32>
    %broadcast_in_dim3A_320 = vector.shape_cast %convert_element_type3A_298 : vector<112x112xf32> to vector<1x112x112xf32>
    %mul3A_321 = vector.broadcast %reshape3A_319 : vector<32x1x1xf32> to vector<32x112x112xf32>
    %mul3A_322 = vector.broadcast %broadcast_in_dim3A_320 : vector<1x112x112xf32> to vector<32x112x112xf32>
    %mul3A_323 = arith.mulf %mul3A_321, %mul3A_322 : vector<32x112x112xf32>
    %add3A_324 = arith.addf %add3A_316, %mul3A_323 : vector<32x112x112xf32>
    %slice3A_325 = vector.extract_strided_slice %convert_element_type3A_294 {offsets = [0, 1], sizes = [112, 111], strides = [1, 1]} : vector<112x112xf32> to vector<112x111xf32>
    %broadcast_in_dim3A_326 = arith.constant 0.000000e+00 : f32
    %broadcast_in_dim3A_327 = vector.broadcast %broadcast_in_dim3A_326 : f32 to vector<112x1xf32>
    %concatenate3A_328 = tpu.concatenate %slice3A_325, %broadcast_in_dim3A_327 in 1 : vector<112x111xf32>, vector<112x1xf32> -> vector<112x112xf32>
    %slice3A_329 = vector.extract_strided_slice %convert_element_type3A_2 {offsets = [0, 20], sizes = [32, 1], strides = [1, 1]} : vector<32x27xf32> to vector<32x1xf32>
    %squeeze3A_330 = vector.shape_cast %slice3A_329 : vector<32x1xf32> to vector<32xf32>
    %reshape3A_331 = vector.shape_cast %squeeze3A_330 : vector<32xf32> to vector<32x1x1xf32>
    %broadcast_in_dim3A_332 = vector.shape_cast %concatenate3A_328 : vector<112x112xf32> to vector<1x112x112xf32>
    %mul3A_333 = vector.broadcast %reshape3A_331 : vector<32x1x1xf32> to vector<32x112x112xf32>
    %mul3A_334 = vector.broadcast %broadcast_in_dim3A_332 : vector<1x112x112xf32> to vector<32x112x112xf32>
    %mul3A_335 = arith.mulf %mul3A_333, %mul3A_334 : vector<32x112x112xf32>
    %add3A_336 = arith.addf %add3A_324, %mul3A_335 : vector<32x112x112xf32>
    %slice3A_337 = vector.extract_strided_slice %convert_element_type3A_2 {offsets = [0, 21], sizes = [32, 1], strides = [1, 1]} : vector<32x27xf32> to vector<32x1xf32>
    %squeeze3A_338 = vector.shape_cast %slice3A_337 : vector<32x1xf32> to vector<32xf32>
    %reshape3A_339 = vector.shape_cast %squeeze3A_338 : vector<32xf32> to vector<32x1x1xf32>
    %broadcast_in_dim3A_340 = vector.shape_cast %convert_element_type3A_304 : vector<112x112xf32> to vector<1x112x112xf32>
    %mul3A_341 = vector.broadcast %reshape3A_339 : vector<32x1x1xf32> to vector<32x112x112xf32>
    %mul3A_342 = vector.broadcast %broadcast_in_dim3A_340 : vector<1x112x112xf32> to vector<32x112x112xf32>
    %mul3A_343 = arith.mulf %mul3A_341, %mul3A_342 : vector<32x112x112xf32>
    %add3A_344 = arith.addf %add3A_336, %mul3A_343 : vector<32x112x112xf32>
    %slice3A_345 = vector.extract_strided_slice %convert_element_type3A_2 {offsets = [0, 22], sizes = [32, 1], strides = [1, 1]} : vector<32x27xf32> to vector<32x1xf32>
    %squeeze3A_346 = vector.shape_cast %slice3A_345 : vector<32x1xf32> to vector<32xf32>
    %reshape3A_347 = vector.shape_cast %squeeze3A_346 : vector<32xf32> to vector<32x1x1xf32>
    %broadcast_in_dim3A_348 = vector.shape_cast %convert_element_type3A_308 : vector<112x112xf32> to vector<1x112x112xf32>
    %mul3A_349 = vector.broadcast %reshape3A_347 : vector<32x1x1xf32> to vector<32x112x112xf32>
    %mul3A_350 = vector.broadcast %broadcast_in_dim3A_348 : vector<1x112x112xf32> to vector<32x112x112xf32>
    %mul3A_351 = arith.mulf %mul3A_349, %mul3A_350 : vector<32x112x112xf32>
    %add3A_352 = arith.addf %add3A_344, %mul3A_351 : vector<32x112x112xf32>
    %slice3A_353 = vector.extract_strided_slice %convert_element_type3A_304 {offsets = [0, 1], sizes = [112, 111], strides = [1, 1]} : vector<112x112xf32> to vector<112x111xf32>
    %broadcast_in_dim3A_354 = arith.constant 0.000000e+00 : f32
    %broadcast_in_dim3A_355 = vector.broadcast %broadcast_in_dim3A_354 : f32 to vector<112x1xf32>
    %concatenate3A_356 = tpu.concatenate %slice3A_353, %broadcast_in_dim3A_355 in 1 : vector<112x111xf32>, vector<112x1xf32> -> vector<112x112xf32>
    %slice3A_357 = vector.extract_strided_slice %convert_element_type3A_2 {offsets = [0, 23], sizes = [32, 1], strides = [1, 1]} : vector<32x27xf32> to vector<32x1xf32>
    %squeeze3A_358 = vector.shape_cast %slice3A_357 : vector<32x1xf32> to vector<32xf32>
    %reshape3A_359 = vector.shape_cast %squeeze3A_358 : vector<32xf32> to vector<32x1x1xf32>
    %broadcast_in_dim3A_360 = vector.shape_cast %concatenate3A_356 : vector<112x112xf32> to vector<1x112x112xf32>
    %mul3A_361 = vector.broadcast %reshape3A_359 : vector<32x1x1xf32> to vector<32x112x112xf32>
    %mul3A_362 = vector.broadcast %broadcast_in_dim3A_360 : vector<1x112x112xf32> to vector<32x112x112xf32>
    %mul3A_363 = arith.mulf %mul3A_361, %mul3A_362 : vector<32x112x112xf32>
    %add3A_364 = arith.addf %add3A_352, %mul3A_363 : vector<32x112x112xf32>
    %slice3A_365 = vector.extract_strided_slice %convert_element_type3A_294 {offsets = [1, 0], sizes = [111, 112], strides = [1, 1]} : vector<112x112xf32> to vector<111x112xf32>
    %broadcast_in_dim3A_366 = arith.constant 0.000000e+00 : f32
    %broadcast_in_dim3A_367 = vector.broadcast %broadcast_in_dim3A_366 : f32 to vector<1x112xf32>
    %concatenate3A_368 = tpu.concatenate %slice3A_365, %broadcast_in_dim3A_367 in 0 : vector<111x112xf32>, vector<1x112xf32> -> vector<112x112xf32>
    %slice3A_369 = vector.extract_strided_slice %convert_element_type3A_2 {offsets = [0, 24], sizes = [32, 1], strides = [1, 1]} : vector<32x27xf32> to vector<32x1xf32>
    %squeeze3A_370 = vector.shape_cast %slice3A_369 : vector<32x1xf32> to vector<32xf32>
    %reshape3A_371 = vector.shape_cast %squeeze3A_370 : vector<32xf32> to vector<32x1x1xf32>
    %broadcast_in_dim3A_372 = vector.shape_cast %concatenate3A_368 : vector<112x112xf32> to vector<1x112x112xf32>
    %mul3A_373 = vector.broadcast %reshape3A_371 : vector<32x1x1xf32> to vector<32x112x112xf32>
    %mul3A_374 = vector.broadcast %broadcast_in_dim3A_372 : vector<1x112x112xf32> to vector<32x112x112xf32>
    %mul3A_375 = arith.mulf %mul3A_373, %mul3A_374 : vector<32x112x112xf32>
    %add3A_376 = arith.addf %add3A_364, %mul3A_375 : vector<32x112x112xf32>
    %slice3A_377 = vector.extract_strided_slice %convert_element_type3A_298 {offsets = [1, 0], sizes = [111, 112], strides = [1, 1]} : vector<112x112xf32> to vector<111x112xf32>
    %broadcast_in_dim3A_378 = arith.constant 0.000000e+00 : f32
    %broadcast_in_dim3A_379 = vector.broadcast %broadcast_in_dim3A_378 : f32 to vector<1x112xf32>
    %concatenate3A_380 = tpu.concatenate %slice3A_377, %broadcast_in_dim3A_379 in 0 : vector<111x112xf32>, vector<1x112xf32> -> vector<112x112xf32>
    %slice3A_381 = vector.extract_strided_slice %convert_element_type3A_2 {offsets = [0, 25], sizes = [32, 1], strides = [1, 1]} : vector<32x27xf32> to vector<32x1xf32>
    %squeeze3A_382 = vector.shape_cast %slice3A_381 : vector<32x1xf32> to vector<32xf32>
    %reshape3A_383 = vector.shape_cast %squeeze3A_382 : vector<32xf32> to vector<32x1x1xf32>
    %broadcast_in_dim3A_384 = vector.shape_cast %concatenate3A_380 : vector<112x112xf32> to vector<1x112x112xf32>
    %mul3A_385 = vector.broadcast %reshape3A_383 : vector<32x1x1xf32> to vector<32x112x112xf32>
    %mul3A_386 = vector.broadcast %broadcast_in_dim3A_384 : vector<1x112x112xf32> to vector<32x112x112xf32>
    %mul3A_387 = arith.mulf %mul3A_385, %mul3A_386 : vector<32x112x112xf32>
    %add3A_388 = arith.addf %add3A_376, %mul3A_387 : vector<32x112x112xf32>
    %slice3A_389 = vector.extract_strided_slice %convert_element_type3A_294 {offsets = [1, 0], sizes = [111, 112], strides = [1, 1]} : vector<112x112xf32> to vector<111x112xf32>
    %broadcast_in_dim3A_390 = arith.constant 0.000000e+00 : f32
    %broadcast_in_dim3A_391 = vector.broadcast %broadcast_in_dim3A_390 : f32 to vector<1x112xf32>
    %concatenate3A_392 = tpu.concatenate %slice3A_389, %broadcast_in_dim3A_391 in 0 : vector<111x112xf32>, vector<1x112xf32> -> vector<112x112xf32>
    %slice3A_393 = vector.extract_strided_slice %concatenate3A_392 {offsets = [0, 1], sizes = [112, 111], strides = [1, 1]} : vector<112x112xf32> to vector<112x111xf32>
    %broadcast_in_dim3A_394 = arith.constant 0.000000e+00 : f32
    %broadcast_in_dim3A_395 = vector.broadcast %broadcast_in_dim3A_394 : f32 to vector<112x1xf32>
    %concatenate3A_396 = tpu.concatenate %slice3A_393, %broadcast_in_dim3A_395 in 1 : vector<112x111xf32>, vector<112x1xf32> -> vector<112x112xf32>
    %slice3A_397 = vector.extract_strided_slice %convert_element_type3A_2 {offsets = [0, 26], sizes = [32, 1], strides = [1, 1]} : vector<32x27xf32> to vector<32x1xf32>
    %squeeze3A_398 = vector.shape_cast %slice3A_397 : vector<32x1xf32> to vector<32xf32>
    %reshape3A_399 = vector.shape_cast %squeeze3A_398 : vector<32xf32> to vector<32x1x1xf32>
    %broadcast_in_dim3A_400 = vector.shape_cast %concatenate3A_396 : vector<112x112xf32> to vector<1x112x112xf32>
    %mul3A_401 = vector.broadcast %reshape3A_399 : vector<32x1x1xf32> to vector<32x112x112xf32>
    %mul3A_402 = vector.broadcast %broadcast_in_dim3A_400 : vector<1x112x112xf32> to vector<32x112x112xf32>
    %mul3A_403 = arith.mulf %mul3A_401, %mul3A_402 : vector<32x112x112xf32>
    %add3A_404 = arith.addf %add3A_388, %mul3A_403 : vector<32x112x112xf32>
    %max3A = arith.constant 0.000000e+00 : f32
    %max3A_405 = vector.broadcast %max3A : f32 to vector<32x112x112xf32>
    %max3A_406 = arith.maximumf %add3A_404, %max3A_405 : vector<32x112x112xf32>
    %get3A_407 = arith.constant 0 : index
    %get3A_408 = arith.constant 0 : index
    %get3A_409 = arith.constant 0 : index
    %get3A_410 = vector.load %arg3[%get3A_407, %get3A_408, %get3A_409] : memref<1x1x32xf32, #tpu.memory_space<vmem>>, vector<1x1x32xf32>
    %get3A_411 = vector.shape_cast %get3A_410 : vector<1x1x32xf32> to vector<1x32xf32>
    %reshape3A_412 = vector.shape_cast %get3A_411 : vector<1x32xf32> to vector<32x1x1xf32>
    %get3A_413 = arith.constant 0 : index
    %get3A_414 = arith.constant 0 : index
    %get3A_415 = arith.constant 0 : index
    %get3A_416 = vector.load %arg4[%get3A_413, %get3A_414, %get3A_415] : memref<1x1x32xf32, #tpu.memory_space<vmem>>, vector<1x1x32xf32>
    %get3A_417 = vector.shape_cast %get3A_416 : vector<1x1x32xf32> to vector<1x32xf32>
    %reshape3A_418 = vector.shape_cast %get3A_417 : vector<1x32xf32> to vector<32x1x1xf32>
    %add3A_419 = arith.constant 1.000000e+00 : f32
    %add3A_420 = vector.broadcast %add3A_419 : f32 to vector<32x1x1xf32>
    %add3A_421 = arith.addf %add3A_420, %reshape3A_412 : vector<32x1x1xf32>
    %mul3A_422 = vector.broadcast %add3A_421 : vector<32x1x1xf32> to vector<32x112x112xf32>
    %mul3A_423 = arith.mulf %max3A_406, %mul3A_422 : vector<32x112x112xf32>
    %add3A_424 = vector.broadcast %reshape3A_418 : vector<32x1x1xf32> to vector<32x112x112xf32>
    %add3A_425 = arith.addf %mul3A_423, %add3A_424 : vector<32x112x112xf32>
    %swap3A = arith.constant 0 : index
    %swap3A_426 = arith.constant 0 : index
    %swap3A_427 = arith.constant 0 : index
    %swap3A_428 = arith.constant 0 : index
    %swap3A_429 = vector.load %arg5[%swap3A, %swap3A_426, %swap3A_427, %swap3A_428] : memref<1x32x112x112xf32, #tpu.memory_space<vmem>>, vector<1x32x112x112xf32>
    %swap3A_430 = vector.shape_cast %swap3A_429 : vector<1x32x112x112xf32> to vector<32x112x112xf32>
    %swap3A_431 = vector.shape_cast %add3A_425 : vector<32x112x112xf32> to vector<1x32x112x112xf32>
    tpu.vector_store %arg5[%swap3A, %swap3A_426, %swap3A_427, %swap3A_428], %swap3A_431 {strides = array<i32>} : memref<1x32x112x112xf32, #tpu.memory_space<vmem>>, vector<1x32x112x112xf32>,
    return
  }
  func.func @transform_0(%arg0: i32) -> (i32, i32, i32, i32) {
    %c0_i32 = arith.constant 0 : i32
    %c0_i32_0 = arith.constant 0 : i32
    %c0_i32_1 = arith.constant 0 : i32
    %c0_i32_2 = arith.constant 0 : i32
    return %arg0, %c0_i32, %c0_i32_0, %c0_i32_1 : i32, i32, i32, i32
  }
  func.func @transform_1(%arg0: i32) -> (i32, i32) {
    %c0_i32 = arith.constant 0 : i32
    %c0_i32_0 = arith.constant 0 : i32
    %c0_i32_1 = arith.constant 0 : i32
    return %c0_i32, %c0_i32_0 : i32, i32
  }
  func.func @transform_2(%arg0: i32) -> (i32, i32, i32) {
    %c0_i32 = arith.constant 0 : i32
    %c0_i32_0 = arith.constant 0 : i32
    %c0_i32_1 = arith.constant 0 : i32
    return %arg0, %c0_i32, %c0_i32_0 : i32, i32, i32
  }
  func.func @transform_3(%arg0: i32) -> (i32, i32, i32) {
    %c0_i32 = arith.constant 0 : i32
    %c0_i32_0 = arith.constant 0 : i32
    %c0_i32_1 = arith.constant 0 : i32
    return %arg0, %c0_i32, %c0_i32_0 : i32, i32, i32
  }
  func.func @transform_4(%arg0: i32) -> (i32, i32, i32, i32) {
    %c0_i32 = arith.constant 0 : i32
    %c0_i32_0 = arith.constant 0 : i32
    %c0_i32_1 = arith.constant 0 : i32
    %c0_i32_2 = arith.constant 0 : i32
    return %arg0, %c0_i32, %c0_i32_0, %c0_i32_1 : i32, i32, i32, i32
  }
}

module attributes {stable_mosaic.version = 14 : i64} {
  func.func @_updown_body(%arg0: i32, %arg1: memref<1x32x112x112xf32, #tpu.memory_space<vmem>>, %arg2: memref<1x3x224x224xf32, #tpu.memory_space<vmem>>, %arg3: memref<32x9xf32, #tpu.memory_space<vmem>>, %arg4: memref<1x1x224x224xf32, #tpu.memory_space<vmem>>, %arg5: memref<1x3x2x2x112x112xbf16, #tpu.memory_space<vmem>>) attributes {dimension_semantics = [#tpu.dimension_semantics<arbitrary>], iteration_bounds = array<i64: 8>, scalar_prefetch = 0 : i64, scratch_operands = 0 : i64, tpu.core_type = #tpu.core_type<tc>, window_params = [{transform_indices = @transform_0, window_bounds = array<i64: 1, 32, 112, 112>}, {transform_indices = @transform_1, window_bounds = array<i64: 1, 3, 224, 224>}, {pipeline_mode = #tpu.pipeline_mode<synchronous>, transform_indices = @transform_2, window_bounds = array<i64: 32, 9>}, {transform_indices = @transform_3, window_bounds = array<i64: 1, 1, 224, 224>}, {transform_indices = @transform_4, window_bounds = array<i64: 1, 3, 2, 2, 112, 112>}]} {
    %get3A = arith.constant 0 : index
    %get3A_0 = arith.constant 0 : index
    %get3A_1 = arith.constant 0 : index
    %get3A_2 = arith.constant 0 : index
    %get3A_3 = vector.load %arg1[%get3A, %get3A_0, %get3A_1, %get3A_2] : memref<1x32x112x112xf32, #tpu.memory_space<vmem>>, vector<1x32x112x112xf32>
    %get3A_4 = vector.shape_cast %get3A_3 : vector<1x32x112x112xf32> to vector<32x112x112xf32>
    %slice3A = vector.extract_strided_slice %get3A_4 {offsets = [0, 0, 0], sizes = [32, 112, 1], strides = [1, 1, 1]} : vector<32x112x112xf32> to vector<32x112x1xf32>
    %slice3A_5 = vector.extract_strided_slice %get3A_4 {offsets = [0, 0, 0], sizes = [32, 112, 111], strides = [1, 1, 1]} : vector<32x112x112xf32> to vector<32x112x111xf32>
    %concatenate3A = tpu.concatenate %slice3A, %slice3A_5 in 2 : vector<32x112x1xf32>, vector<32x112x111xf32> -> vector<32x112x112xf32>
    %slice3A_6 = vector.extract_strided_slice %get3A_4 {offsets = [0, 0, 1], sizes = [32, 112, 111], strides = [1, 1, 1]} : vector<32x112x112xf32> to vector<32x112x111xf32>
    %slice3A_7 = vector.extract_strided_slice %get3A_4 {offsets = [0, 0, 111], sizes = [32, 112, 1], strides = [1, 1, 1]} : vector<32x112x112xf32> to vector<32x112x1xf32>
    %concatenate3A_8 = tpu.concatenate %slice3A_6, %slice3A_7 in 2 : vector<32x112x111xf32>, vector<32x112x1xf32> -> vector<32x112x112xf32>
    %mul3A = arith.constant 7.500000e-01 : f32
    %mul3A_9 = vector.broadcast %mul3A : f32 to vector<32x112x112xf32>
    %mul3A_10 = arith.mulf %mul3A_9, %get3A_4 : vector<32x112x112xf32>
    %mul3A_11 = arith.constant 2.500000e-01 : f32
    %mul3A_12 = vector.broadcast %mul3A_11 : f32 to vector<32x112x112xf32>
    %mul3A_13 = arith.mulf %mul3A_12, %concatenate3A : vector<32x112x112xf32>
    %add3A = arith.addf %mul3A_10, %mul3A_13 : vector<32x112x112xf32>
    %mul3A_14 = arith.constant 7.500000e-01 : f32
    %mul3A_15 = vector.broadcast %mul3A_14 : f32 to vector<32x112x112xf32>
    %mul3A_16 = arith.mulf %mul3A_15, %get3A_4 : vector<32x112x112xf32>
    %mul3A_17 = arith.constant 2.500000e-01 : f32
    %mul3A_18 = vector.broadcast %mul3A_17 : f32 to vector<32x112x112xf32>
    %mul3A_19 = arith.mulf %mul3A_18, %concatenate3A_8 : vector<32x112x112xf32>
    %add3A_20 = arith.addf %mul3A_16, %mul3A_19 : vector<32x112x112xf32>
    %slice3A_21 = vector.extract_strided_slice %add3A {offsets = [0, 0, 0], sizes = [32, 1, 112], strides = [1, 1, 1]} : vector<32x112x112xf32> to vector<32x1x112xf32>
    %slice3A_22 = vector.extract_strided_slice %add3A {offsets = [0, 0, 0], sizes = [32, 111, 112], strides = [1, 1, 1]} : vector<32x112x112xf32> to vector<32x111x112xf32>
    %concatenate3A_23 = tpu.concatenate %slice3A_21, %slice3A_22 in 1 : vector<32x1x112xf32>, vector<32x111x112xf32> -> vector<32x112x112xf32>
    %slice3A_24 = vector.extract_strided_slice %add3A {offsets = [0, 1, 0], sizes = [32, 111, 112], strides = [1, 1, 1]} : vector<32x112x112xf32> to vector<32x111x112xf32>
    %slice3A_25 = vector.extract_strided_slice %add3A {offsets = [0, 111, 0], sizes = [32, 1, 112], strides = [1, 1, 1]} : vector<32x112x112xf32> to vector<32x1x112xf32>
    %concatenate3A_26 = tpu.concatenate %slice3A_24, %slice3A_25 in 1 : vector<32x111x112xf32>, vector<32x1x112xf32> -> vector<32x112x112xf32>
    %mul3A_27 = arith.constant 7.500000e-01 : f32
    %mul3A_28 = vector.broadcast %mul3A_27 : f32 to vector<32x112x112xf32>
    %mul3A_29 = arith.mulf %mul3A_28, %add3A : vector<32x112x112xf32>
    %mul3A_30 = arith.constant 2.500000e-01 : f32
    %mul3A_31 = vector.broadcast %mul3A_30 : f32 to vector<32x112x112xf32>
    %mul3A_32 = arith.mulf %mul3A_31, %concatenate3A_23 : vector<32x112x112xf32>
    %add3A_33 = arith.addf %mul3A_29, %mul3A_32 : vector<32x112x112xf32>
    %convert_element_type3A = arith.truncf %add3A_33 : vector<32x112x112xf32> to vector<32x112x112xbf16>
    %convert_element_type3A_34 = arith.extf %convert_element_type3A : vector<32x112x112xbf16> to vector<32x112x112xf32>
    %mul3A_35 = arith.constant 7.500000e-01 : f32
    %mul3A_36 = vector.broadcast %mul3A_35 : f32 to vector<32x112x112xf32>
    %mul3A_37 = arith.mulf %mul3A_36, %add3A : vector<32x112x112xf32>
    %mul3A_38 = arith.constant 2.500000e-01 : f32
    %mul3A_39 = vector.broadcast %mul3A_38 : f32 to vector<32x112x112xf32>
    %mul3A_40 = arith.mulf %mul3A_39, %concatenate3A_26 : vector<32x112x112xf32>
    %add3A_41 = arith.addf %mul3A_37, %mul3A_40 : vector<32x112x112xf32>
    %convert_element_type3A_42 = arith.truncf %add3A_41 : vector<32x112x112xf32> to vector<32x112x112xbf16>
    %convert_element_type3A_43 = arith.extf %convert_element_type3A_42 : vector<32x112x112xbf16> to vector<32x112x112xf32>
    %slice3A_44 = vector.extract_strided_slice %add3A_20 {offsets = [0, 0, 0], sizes = [32, 1, 112], strides = [1, 1, 1]} : vector<32x112x112xf32> to vector<32x1x112xf32>
    %slice3A_45 = vector.extract_strided_slice %add3A_20 {offsets = [0, 0, 0], sizes = [32, 111, 112], strides = [1, 1, 1]} : vector<32x112x112xf32> to vector<32x111x112xf32>
    %concatenate3A_46 = tpu.concatenate %slice3A_44, %slice3A_45 in 1 : vector<32x1x112xf32>, vector<32x111x112xf32> -> vector<32x112x112xf32>
    %slice3A_47 = vector.extract_strided_slice %add3A_20 {offsets = [0, 1, 0], sizes = [32, 111, 112], strides = [1, 1, 1]} : vector<32x112x112xf32> to vector<32x111x112xf32>
    %slice3A_48 = vector.extract_strided_slice %add3A_20 {offsets = [0, 111, 0], sizes = [32, 1, 112], strides = [1, 1, 1]} : vector<32x112x112xf32> to vector<32x1x112xf32>
    %concatenate3A_49 = tpu.concatenate %slice3A_47, %slice3A_48 in 1 : vector<32x111x112xf32>, vector<32x1x112xf32> -> vector<32x112x112xf32>
    %mul3A_50 = arith.constant 7.500000e-01 : f32
    %mul3A_51 = vector.broadcast %mul3A_50 : f32 to vector<32x112x112xf32>
    %mul3A_52 = arith.mulf %mul3A_51, %add3A_20 : vector<32x112x112xf32>
    %mul3A_53 = arith.constant 2.500000e-01 : f32
    %mul3A_54 = vector.broadcast %mul3A_53 : f32 to vector<32x112x112xf32>
    %mul3A_55 = arith.mulf %mul3A_54, %concatenate3A_46 : vector<32x112x112xf32>
    %add3A_56 = arith.addf %mul3A_52, %mul3A_55 : vector<32x112x112xf32>
    %convert_element_type3A_57 = arith.truncf %add3A_56 : vector<32x112x112xf32> to vector<32x112x112xbf16>
    %convert_element_type3A_58 = arith.extf %convert_element_type3A_57 : vector<32x112x112xbf16> to vector<32x112x112xf32>
    %mul3A_59 = arith.constant 7.500000e-01 : f32
    %mul3A_60 = vector.broadcast %mul3A_59 : f32 to vector<32x112x112xf32>
    %mul3A_61 = arith.mulf %mul3A_60, %add3A_20 : vector<32x112x112xf32>
    %mul3A_62 = arith.constant 2.500000e-01 : f32
    %mul3A_63 = vector.broadcast %mul3A_62 : f32 to vector<32x112x112xf32>
    %mul3A_64 = arith.mulf %mul3A_63, %concatenate3A_49 : vector<32x112x112xf32>
    %add3A_65 = arith.addf %mul3A_61, %mul3A_64 : vector<32x112x112xf32>
    %convert_element_type3A_66 = arith.truncf %add3A_65 : vector<32x112x112xf32> to vector<32x112x112xbf16>
    %convert_element_type3A_67 = arith.extf %convert_element_type3A_66 : vector<32x112x112xbf16> to vector<32x112x112xf32>
    %get3A_68 = arith.constant 0 : index
    %get3A_69 = arith.constant 0 : index
    %get3A_70 = vector.load %arg3[%get3A_68, %get3A_69] : memref<32x9xf32, #tpu.memory_space<vmem>>, vector<32x9xf32>
    %convert_element_type3A_71 = arith.truncf %get3A_70 : vector<32x9xf32> to vector<32x9xbf16>
    %convert_element_type3A_72 = arith.extf %convert_element_type3A_71 : vector<32x9xbf16> to vector<32x9xf32>
    %iota3A = tpu.iota {dimensions = array<i32: 0>} : vector<224x112xi32>
    %iota3A_73 = tpu.iota {dimensions = array<i32: 1>} : vector<224x112xi32>
    %mul3A_74 = arith.constant 2 : i32
    %mul3A_75 = vector.broadcast %mul3A_74 : i32 to vector<224x112xi32>
    %mul3A_76 = arith.muli %mul3A_75, %iota3A_73 : vector<224x112xi32>
    %add3A_77 = arith.constant 0 : i32
    %add3A_78 = vector.broadcast %add3A_77 : i32 to vector<224x112xi32>
    %add3A_79 = arith.addi %mul3A_76, %add3A_78 : vector<224x112xi32>
    %eq3A = arith.cmpi eq, %iota3A, %add3A_79 : vector<224x112xi32>
    %convert_element_type3A_80 = arith.extui %eq3A : vector<224x112xi1> to vector<224x112xi32>
    %convert_element_type3A_81 = arith.sitofp %convert_element_type3A_80 : vector<224x112xi32> to vector<224x112xf32>
    %iota3A_82 = tpu.iota {dimensions = array<i32: 0>} : vector<224x112xi32>
    %iota3A_83 = tpu.iota {dimensions = array<i32: 1>} : vector<224x112xi32>
    %mul3A_84 = arith.constant 2 : i32
    %mul3A_85 = vector.broadcast %mul3A_84 : i32 to vector<224x112xi32>
    %mul3A_86 = arith.muli %mul3A_85, %iota3A_83 : vector<224x112xi32>
    %add3A_87 = arith.constant 1 : i32
    %add3A_88 = vector.broadcast %add3A_87 : i32 to vector<224x112xi32>
    %add3A_89 = arith.addi %mul3A_86, %add3A_88 : vector<224x112xi32>
    %eq3A_90 = arith.cmpi eq, %iota3A_82, %add3A_89 : vector<224x112xi32>
    %convert_element_type3A_91 = arith.extui %eq3A_90 : vector<224x112xi1> to vector<224x112xi32>
    %convert_element_type3A_92 = arith.sitofp %convert_element_type3A_91 : vector<224x112xi32> to vector<224x112xf32>
    %iota3A_93 = tpu.iota {dimensions = array<i32: 1>} : vector<112x224xi32>
    %iota3A_94 = tpu.iota {dimensions = array<i32: 0>} : vector<112x224xi32>
    %mul3A_95 = arith.constant 2 : i32
    %mul3A_96 = vector.broadcast %mul3A_95 : i32 to vector<112x224xi32>
    %mul3A_97 = arith.muli %mul3A_96, %iota3A_94 : vector<112x224xi32>
    %add3A_98 = arith.constant 0 : i32
    %add3A_99 = vector.broadcast %add3A_98 : i32 to vector<112x224xi32>
    %add3A_100 = arith.addi %mul3A_97, %add3A_99 : vector<112x224xi32>
    %eq3A_101 = arith.cmpi eq, %iota3A_93, %add3A_100 : vector<112x224xi32>
    %convert_element_type3A_102 = arith.extui %eq3A_101 : vector<112x224xi1> to vector<112x224xi32>
    %convert_element_type3A_103 = arith.sitofp %convert_element_type3A_102 : vector<112x224xi32> to vector<112x224xf32>
    %iota3A_104 = tpu.iota {dimensions = array<i32: 1>} : vector<112x224xi32>
    %iota3A_105 = tpu.iota {dimensions = array<i32: 0>} : vector<112x224xi32>
    %mul3A_106 = arith.constant 2 : i32
    %mul3A_107 = vector.broadcast %mul3A_106 : i32 to vector<112x224xi32>
    %mul3A_108 = arith.muli %mul3A_107, %iota3A_105 : vector<112x224xi32>
    %add3A_109 = arith.constant 1 : i32
    %add3A_110 = vector.broadcast %add3A_109 : i32 to vector<112x224xi32>
    %add3A_111 = arith.addi %mul3A_108, %add3A_110 : vector<112x224xi32>
    %eq3A_112 = arith.cmpi eq, %iota3A_104, %add3A_111 : vector<112x224xi32>
    %convert_element_type3A_113 = arith.extui %eq3A_112 : vector<112x224xi1> to vector<112x224xi32>
    %convert_element_type3A_114 = arith.sitofp %convert_element_type3A_113 : vector<112x224xi32> to vector<112x224xf32>
    %broadcast_in_dim3A = arith.constant 0.000000e+00 : f32
    %broadcast_in_dim3A_115 = vector.broadcast %broadcast_in_dim3A : f32 to vector<224x224xf32>
    %broadcast_in_dim3A_116 = arith.constant 0.000000e+00 : f32
    %broadcast_in_dim3A_117 = vector.broadcast %broadcast_in_dim3A_116 : f32 to vector<32x112x112xf32>
    %broadcast_in_dim3A_118 = arith.constant 0.000000e+00 : f32
    %broadcast_in_dim3A_119 = vector.broadcast %broadcast_in_dim3A_118 : f32 to vector<32x1x112xf32>
    %slice3A_120 = vector.extract_strided_slice %convert_element_type3A_67 {offsets = [0, 0, 0], sizes = [32, 111, 112], strides = [1, 1, 1]} : vector<32x112x112xf32> to vector<32x111x112xf32>
    %concatenate3A_121 = tpu.concatenate %broadcast_in_dim3A_119, %slice3A_120 in 1 : vector<32x1x112xf32>, vector<32x111x112xf32> -> vector<32x112x112xf32>
    %broadcast_in_dim3A_122 = arith.constant 0.000000e+00 : f32
    %broadcast_in_dim3A_123 = vector.broadcast %broadcast_in_dim3A_122 : f32 to vector<32x112x1xf32>
    %slice3A_124 = vector.extract_strided_slice %concatenate3A_121 {offsets = [0, 0, 0], sizes = [32, 112, 111], strides = [1, 1, 1]} : vector<32x112x112xf32> to vector<32x112x111xf32>
    %concatenate3A_125 = tpu.concatenate %broadcast_in_dim3A_123, %slice3A_124 in 2 : vector<32x112x1xf32>, vector<32x112x111xf32> -> vector<32x112x112xf32>
    %slice3A_126 = vector.extract_strided_slice %convert_element_type3A_72 {offsets = [0, 0], sizes = [32, 1], strides = [1, 1]} : vector<32x9xf32> to vector<32x1xf32>
    %squeeze3A = vector.shape_cast %slice3A_126 : vector<32x1xf32> to vector<32xf32>
    %reshape3A = vector.shape_cast %squeeze3A : vector<32xf32> to vector<32x1x1xf32>
    %mul3A_127 = vector.broadcast %reshape3A : vector<32x1x1xf32> to vector<32x112x112xf32>
    %mul3A_128 = arith.mulf %mul3A_127, %concatenate3A_125 : vector<32x112x112xf32>
    %add3A_129 = arith.addf %broadcast_in_dim3A_117, %mul3A_128 : vector<32x112x112xf32>
    %broadcast_in_dim3A_130 = arith.constant 0.000000e+00 : f32
    %broadcast_in_dim3A_131 = vector.broadcast %broadcast_in_dim3A_130 : f32 to vector<32x1x112xf32>
    %slice3A_132 = vector.extract_strided_slice %convert_element_type3A_43 {offsets = [0, 0, 0], sizes = [32, 111, 112], strides = [1, 1, 1]} : vector<32x112x112xf32> to vector<32x111x112xf32>
    %concatenate3A_133 = tpu.concatenate %broadcast_in_dim3A_131, %slice3A_132 in 1 : vector<32x1x112xf32>, vector<32x111x112xf32> -> vector<32x112x112xf32>
    %slice3A_134 = vector.extract_strided_slice %convert_element_type3A_72 {offsets = [0, 1], sizes = [32, 1], strides = [1, 1]} : vector<32x9xf32> to vector<32x1xf32>
    %squeeze3A_135 = vector.shape_cast %slice3A_134 : vector<32x1xf32> to vector<32xf32>
    %reshape3A_136 = vector.shape_cast %squeeze3A_135 : vector<32xf32> to vector<32x1x1xf32>
    %mul3A_137 = vector.broadcast %reshape3A_136 : vector<32x1x1xf32> to vector<32x112x112xf32>
    %mul3A_138 = arith.mulf %mul3A_137, %concatenate3A_133 : vector<32x112x112xf32>
    %add3A_139 = arith.addf %add3A_129, %mul3A_138 : vector<32x112x112xf32>
    %broadcast_in_dim3A_140 = arith.constant 0.000000e+00 : f32
    %broadcast_in_dim3A_141 = vector.broadcast %broadcast_in_dim3A_140 : f32 to vector<32x1x112xf32>
    %slice3A_142 = vector.extract_strided_slice %convert_element_type3A_67 {offsets = [0, 0, 0], sizes = [32, 111, 112], strides = [1, 1, 1]} : vector<32x112x112xf32> to vector<32x111x112xf32>
    %concatenate3A_143 = tpu.concatenate %broadcast_in_dim3A_141, %slice3A_142 in 1 : vector<32x1x112xf32>, vector<32x111x112xf32> -> vector<32x112x112xf32>
    %slice3A_144 = vector.extract_strided_slice %convert_element_type3A_72 {offsets = [0, 2], sizes = [32, 1], strides = [1, 1]} : vector<32x9xf32> to vector<32x1xf32>
    %squeeze3A_145 = vector.shape_cast %slice3A_144 : vector<32x1xf32> to vector<32xf32>
    %reshape3A_146 = vector.shape_cast %squeeze3A_145 : vector<32xf32> to vector<32x1x1xf32>
    %mul3A_147 = vector.broadcast %reshape3A_146 : vector<32x1x1xf32> to vector<32x112x112xf32>
    %mul3A_148 = arith.mulf %mul3A_147, %concatenate3A_143 : vector<32x112x112xf32>
    %add3A_149 = arith.addf %add3A_139, %mul3A_148 : vector<32x112x112xf32>
    %broadcast_in_dim3A_150 = arith.constant 0.000000e+00 : f32
    %broadcast_in_dim3A_151 = vector.broadcast %broadcast_in_dim3A_150 : f32 to vector<32x112x1xf32>
    %slice3A_152 = vector.extract_strided_slice %convert_element_type3A_58 {offsets = [0, 0, 0], sizes = [32, 112, 111], strides = [1, 1, 1]} : vector<32x112x112xf32> to vector<32x112x111xf32>
    %concatenate3A_153 = tpu.concatenate %broadcast_in_dim3A_151, %slice3A_152 in 2 : vector<32x112x1xf32>, vector<32x112x111xf32> -> vector<32x112x112xf32>
    %slice3A_154 = vector.extract_strided_slice %convert_element_type3A_72 {offsets = [0, 3], sizes = [32, 1], strides = [1, 1]} : vector<32x9xf32> to vector<32x1xf32>
    %squeeze3A_155 = vector.shape_cast %slice3A_154 : vector<32x1xf32> to vector<32xf32>
    %reshape3A_156 = vector.shape_cast %squeeze3A_155 : vector<32xf32> to vector<32x1x1xf32>
    %mul3A_157 = vector.broadcast %reshape3A_156 : vector<32x1x1xf32> to vector<32x112x112xf32>
    %mul3A_158 = arith.mulf %mul3A_157, %concatenate3A_153 : vector<32x112x112xf32>
    %add3A_159 = arith.addf %add3A_149, %mul3A_158 : vector<32x112x112xf32>
    %slice3A_160 = vector.extract_strided_slice %convert_element_type3A_72 {offsets = [0, 4], sizes = [32, 1], strides = [1, 1]} : vector<32x9xf32> to vector<32x1xf32>
    %squeeze3A_161 = vector.shape_cast %slice3A_160 : vector<32x1xf32> to vector<32xf32>
    %reshape3A_162 = vector.shape_cast %squeeze3A_161 : vector<32xf32> to vector<32x1x1xf32>
    %mul3A_163 = vector.broadcast %reshape3A_162 : vector<32x1x1xf32> to vector<32x112x112xf32>
    %mul3A_164 = arith.mulf %mul3A_163, %convert_element_type3A_34 : vector<32x112x112xf32>
    %add3A_165 = arith.addf %add3A_159, %mul3A_164 : vector<32x112x112xf32>
    %slice3A_166 = vector.extract_strided_slice %convert_element_type3A_72 {offsets = [0, 5], sizes = [32, 1], strides = [1, 1]} : vector<32x9xf32> to vector<32x1xf32>
    %squeeze3A_167 = vector.shape_cast %slice3A_166 : vector<32x1xf32> to vector<32xf32>
    %reshape3A_168 = vector.shape_cast %squeeze3A_167 : vector<32xf32> to vector<32x1x1xf32>
    %mul3A_169 = vector.broadcast %reshape3A_168 : vector<32x1x1xf32> to vector<32x112x112xf32>
    %mul3A_170 = arith.mulf %mul3A_169, %convert_element_type3A_58 : vector<32x112x112xf32>
    %add3A_171 = arith.addf %add3A_165, %mul3A_170 : vector<32x112x112xf32>
    %broadcast_in_dim3A_172 = arith.constant 0.000000e+00 : f32
    %broadcast_in_dim3A_173 = vector.broadcast %broadcast_in_dim3A_172 : f32 to vector<32x112x1xf32>
    %slice3A_174 = vector.extract_strided_slice %convert_element_type3A_67 {offsets = [0, 0, 0], sizes = [32, 112, 111], strides = [1, 1, 1]} : vector<32x112x112xf32> to vector<32x112x111xf32>
    %concatenate3A_175 = tpu.concatenate %broadcast_in_dim3A_173, %slice3A_174 in 2 : vector<32x112x1xf32>, vector<32x112x111xf32> -> vector<32x112x112xf32>
    %slice3A_176 = vector.extract_strided_slice %convert_element_type3A_72 {offsets = [0, 6], sizes = [32, 1], strides = [1, 1]} : vector<32x9xf32> to vector<32x1xf32>
    %squeeze3A_177 = vector.shape_cast %slice3A_176 : vector<32x1xf32> to vector<32xf32>
    %reshape3A_178 = vector.shape_cast %squeeze3A_177 : vector<32xf32> to vector<32x1x1xf32>
    %mul3A_179 = vector.broadcast %reshape3A_178 : vector<32x1x1xf32> to vector<32x112x112xf32>
    %mul3A_180 = arith.mulf %mul3A_179, %concatenate3A_175 : vector<32x112x112xf32>
    %add3A_181 = arith.addf %add3A_171, %mul3A_180 : vector<32x112x112xf32>
    %slice3A_182 = vector.extract_strided_slice %convert_element_type3A_72 {offsets = [0, 7], sizes = [32, 1], strides = [1, 1]} : vector<32x9xf32> to vector<32x1xf32>
    %squeeze3A_183 = vector.shape_cast %slice3A_182 : vector<32x1xf32> to vector<32xf32>
    %reshape3A_184 = vector.shape_cast %squeeze3A_183 : vector<32xf32> to vector<32x1x1xf32>
    %mul3A_185 = vector.broadcast %reshape3A_184 : vector<32x1x1xf32> to vector<32x112x112xf32>
    %mul3A_186 = arith.mulf %mul3A_185, %convert_element_type3A_43 : vector<32x112x112xf32>
    %add3A_187 = arith.addf %add3A_181, %mul3A_186 : vector<32x112x112xf32>
    %slice3A_188 = vector.extract_strided_slice %convert_element_type3A_72 {offsets = [0, 8], sizes = [32, 1], strides = [1, 1]} : vector<32x9xf32> to vector<32x1xf32>
    %squeeze3A_189 = vector.shape_cast %slice3A_188 : vector<32x1xf32> to vector<32xf32>
    %reshape3A_190 = vector.shape_cast %squeeze3A_189 : vector<32xf32> to vector<32x1x1xf32>
    %mul3A_191 = vector.broadcast %reshape3A_190 : vector<32x1x1xf32> to vector<32x112x112xf32>
    %mul3A_192 = arith.mulf %mul3A_191, %convert_element_type3A_67 : vector<32x112x112xf32>
    %add3A_193 = arith.addf %add3A_187, %mul3A_192 : vector<32x112x112xf32>
    %reduce_sum3A = arith.constant dense<0.000000e+00> : vector<112x112xf32>
    %reduce_sum3A_194 = vector.multi_reduction <add>, %add3A_193, %reduce_sum3A [0] : vector<32x112x112xf32> to vector<112x112xf32>
    %gt3A = arith.constant 0.000000e+00 : f32
    %gt3A_195 = vector.broadcast %gt3A : f32 to vector<112x112xf32>
    %gt3A_196 = arith.cmpf ogt, %reduce_sum3A_194, %gt3A_195 : vector<112x112xf32>
    %convert_element_type3A_197 = arith.extui %gt3A_196 : vector<112x112xi1> to vector<112x112xi32>
    %convert_element_type3A_198 = arith.sitofp %convert_element_type3A_197 : vector<112x112xi32> to vector<112x112xf32>
    %dot_general3A = arith.constant dense<0.000000e+00> : vector<112x224xf32>
    %dot_general3A_199 = tpu.matmul %reduce_sum3A_194, %convert_element_type3A_103, %dot_general3A {dimension_numbers = #tpu.dot_dimension_numbers<[1], [0], [0], [1], [0, 0, 1, 1], [], []>, transpose_lhs_hint = false} : vector<112x112xf32>, vector<112x224xf32>, vector<112x224xf32> -> vector<112x224xf32>
    %dot_general3A_200 = arith.constant dense<0.000000e+00> : vector<224x224xf32>
    %dot_general3A_201 = tpu.matmul %convert_element_type3A_81, %dot_general3A_199, %dot_general3A_200 {dimension_numbers = #tpu.dot_dimension_numbers<[1], [0], [0], [1], [0, 0, 1, 1], [], []>, transpose_lhs_hint = false} : vector<224x112xf32>, vector<112x224xf32>, vector<224x224xf32> -> vector<224x224xf32>
    %add3A_202 = arith.addf %broadcast_in_dim3A_115, %dot_general3A_201 : vector<224x224xf32>
    %broadcast_in_dim3A_203 = arith.constant 0.000000e+00 : f32
    %broadcast_in_dim3A_204 = vector.broadcast %broadcast_in_dim3A_203 : f32 to vector<32x112x112xf32>
    %broadcast_in_dim3A_205 = arith.constant 0.000000e+00 : f32
    %broadcast_in_dim3A_206 = vector.broadcast %broadcast_in_dim3A_205 : f32 to vector<32x1x112xf32>
    %slice3A_207 = vector.extract_strided_slice %convert_element_type3A_43 {offsets = [0, 0, 0], sizes = [32, 111, 112], strides = [1, 1, 1]} : vector<32x112x112xf32> to vector<32x111x112xf32>
    %concatenate3A_208 = tpu.concatenate %broadcast_in_dim3A_206, %slice3A_207 in 1 : vector<32x1x112xf32>, vector<32x111x112xf32> -> vector<32x112x112xf32>
    %slice3A_209 = vector.extract_strided_slice %convert_element_type3A_72 {offsets = [0, 0], sizes = [32, 1], strides = [1, 1]} : vector<32x9xf32> to vector<32x1xf32>
    %squeeze3A_210 = vector.shape_cast %slice3A_209 : vector<32x1xf32> to vector<32xf32>
    %reshape3A_211 = vector.shape_cast %squeeze3A_210 : vector<32xf32> to vector<32x1x1xf32>
    %mul3A_212 = vector.broadcast %reshape3A_211 : vector<32x1x1xf32> to vector<32x112x112xf32>
    %mul3A_213 = arith.mulf %mul3A_212, %concatenate3A_208 : vector<32x112x112xf32>
    %add3A_214 = arith.addf %broadcast_in_dim3A_204, %mul3A_213 : vector<32x112x112xf32>
    %broadcast_in_dim3A_215 = arith.constant 0.000000e+00 : f32
    %broadcast_in_dim3A_216 = vector.broadcast %broadcast_in_dim3A_215 : f32 to vector<32x1x112xf32>
    %slice3A_217 = vector.extract_strided_slice %convert_element_type3A_67 {offsets = [0, 0, 0], sizes = [32, 111, 112], strides = [1, 1, 1]} : vector<32x112x112xf32> to vector<32x111x112xf32>
    %concatenate3A_218 = tpu.concatenate %broadcast_in_dim3A_216, %slice3A_217 in 1 : vector<32x1x112xf32>, vector<32x111x112xf32> -> vector<32x112x112xf32>
    %slice3A_219 = vector.extract_strided_slice %convert_element_type3A_72 {offsets = [0, 1], sizes = [32, 1], strides = [1, 1]} : vector<32x9xf32> to vector<32x1xf32>
    %squeeze3A_220 = vector.shape_cast %slice3A_219 : vector<32x1xf32> to vector<32xf32>
    %reshape3A_221 = vector.shape_cast %squeeze3A_220 : vector<32xf32> to vector<32x1x1xf32>
    %mul3A_222 = vector.broadcast %reshape3A_221 : vector<32x1x1xf32> to vector<32x112x112xf32>
    %mul3A_223 = arith.mulf %mul3A_222, %concatenate3A_218 : vector<32x112x112xf32>
    %add3A_224 = arith.addf %add3A_214, %mul3A_223 : vector<32x112x112xf32>
    %broadcast_in_dim3A_225 = arith.constant 0.000000e+00 : f32
    %broadcast_in_dim3A_226 = vector.broadcast %broadcast_in_dim3A_225 : f32 to vector<32x1x112xf32>
    %slice3A_227 = vector.extract_strided_slice %convert_element_type3A_43 {offsets = [0, 0, 0], sizes = [32, 111, 112], strides = [1, 1, 1]} : vector<32x112x112xf32> to vector<32x111x112xf32>
    %concatenate3A_228 = tpu.concatenate %broadcast_in_dim3A_226, %slice3A_227 in 1 : vector<32x1x112xf32>, vector<32x111x112xf32> -> vector<32x112x112xf32>
    %slice3A_229 = vector.extract_strided_slice %concatenate3A_228 {offsets = [0, 0, 1], sizes = [32, 112, 111], strides = [1, 1, 1]} : vector<32x112x112xf32> to vector<32x112x111xf32>
    %broadcast_in_dim3A_230 = arith.constant 0.000000e+00 : f32
    %broadcast_in_dim3A_231 = vector.broadcast %broadcast_in_dim3A_230 : f32 to vector<32x112x1xf32>
    %concatenate3A_232 = tpu.concatenate %slice3A_229, %broadcast_in_dim3A_231 in 2 : vector<32x112x111xf32>, vector<32x112x1xf32> -> vector<32x112x112xf32>
    %slice3A_233 = vector.extract_strided_slice %convert_element_type3A_72 {offsets = [0, 2], sizes = [32, 1], strides = [1, 1]} : vector<32x9xf32> to vector<32x1xf32>
    %squeeze3A_234 = vector.shape_cast %slice3A_233 : vector<32x1xf32> to vector<32xf32>
    %reshape3A_235 = vector.shape_cast %squeeze3A_234 : vector<32xf32> to vector<32x1x1xf32>
    %mul3A_236 = vector.broadcast %reshape3A_235 : vector<32x1x1xf32> to vector<32x112x112xf32>
    %mul3A_237 = arith.mulf %mul3A_236, %concatenate3A_232 : vector<32x112x112xf32>
    %add3A_238 = arith.addf %add3A_224, %mul3A_237 : vector<32x112x112xf32>
    %slice3A_239 = vector.extract_strided_slice %convert_element_type3A_72 {offsets = [0, 3], sizes = [32, 1], strides = [1, 1]} : vector<32x9xf32> to vector<32x1xf32>
    %squeeze3A_240 = vector.shape_cast %slice3A_239 : vector<32x1xf32> to vector<32xf32>
    %reshape3A_241 = vector.shape_cast %squeeze3A_240 : vector<32xf32> to vector<32x1x1xf32>
    %mul3A_242 = vector.broadcast %reshape3A_241 : vector<32x1x1xf32> to vector<32x112x112xf32>
    %mul3A_243 = arith.mulf %mul3A_242, %convert_element_type3A_34 : vector<32x112x112xf32>
    %add3A_244 = arith.addf %add3A_238, %mul3A_243 : vector<32x112x112xf32>
    %slice3A_245 = vector.extract_strided_slice %convert_element_type3A_72 {offsets = [0, 4], sizes = [32, 1], strides = [1, 1]} : vector<32x9xf32> to vector<32x1xf32>
    %squeeze3A_246 = vector.shape_cast %slice3A_245 : vector<32x1xf32> to vector<32xf32>
    %reshape3A_247 = vector.shape_cast %squeeze3A_246 : vector<32xf32> to vector<32x1x1xf32>
    %mul3A_248 = vector.broadcast %reshape3A_247 : vector<32x1x1xf32> to vector<32x112x112xf32>
    %mul3A_249 = arith.mulf %mul3A_248, %convert_element_type3A_58 : vector<32x112x112xf32>
    %add3A_250 = arith.addf %add3A_244, %mul3A_249 : vector<32x112x112xf32>
    %slice3A_251 = vector.extract_strided_slice %convert_element_type3A_34 {offsets = [0, 0, 1], sizes = [32, 112, 111], strides = [1, 1, 1]} : vector<32x112x112xf32> to vector<32x112x111xf32>
    %broadcast_in_dim3A_252 = arith.constant 0.000000e+00 : f32
    %broadcast_in_dim3A_253 = vector.broadcast %broadcast_in_dim3A_252 : f32 to vector<32x112x1xf32>
    %concatenate3A_254 = tpu.concatenate %slice3A_251, %broadcast_in_dim3A_253 in 2 : vector<32x112x111xf32>, vector<32x112x1xf32> -> vector<32x112x112xf32>
    %slice3A_255 = vector.extract_strided_slice %convert_element_type3A_72 {offsets = [0, 5], sizes = [32, 1], strides = [1, 1]} : vector<32x9xf32> to vector<32x1xf32>
    %squeeze3A_256 = vector.shape_cast %slice3A_255 : vector<32x1xf32> to vector<32xf32>
    %reshape3A_257 = vector.shape_cast %squeeze3A_256 : vector<32xf32> to vector<32x1x1xf32>
    %mul3A_258 = vector.broadcast %reshape3A_257 : vector<32x1x1xf32> to vector<32x112x112xf32>
    %mul3A_259 = arith.mulf %mul3A_258, %concatenate3A_254 : vector<32x112x112xf32>
    %add3A_260 = arith.addf %add3A_250, %mul3A_259 : vector<32x112x112xf32>
    %slice3A_261 = vector.extract_strided_slice %convert_element_type3A_72 {offsets = [0, 6], sizes = [32, 1], strides = [1, 1]} : vector<32x9xf32> to vector<32x1xf32>
    %squeeze3A_262 = vector.shape_cast %slice3A_261 : vector<32x1xf32> to vector<32xf32>
    %reshape3A_263 = vector.shape_cast %squeeze3A_262 : vector<32xf32> to vector<32x1x1xf32>
    %mul3A_264 = vector.broadcast %reshape3A_263 : vector<32x1x1xf32> to vector<32x112x112xf32>
    %mul3A_265 = arith.mulf %mul3A_264, %convert_element_type3A_43 : vector<32x112x112xf32>
    %add3A_266 = arith.addf %add3A_260, %mul3A_265 : vector<32x112x112xf32>
    %slice3A_267 = vector.extract_strided_slice %convert_element_type3A_72 {offsets = [0, 7], sizes = [32, 1], strides = [1, 1]} : vector<32x9xf32> to vector<32x1xf32>
    %squeeze3A_268 = vector.shape_cast %slice3A_267 : vector<32x1xf32> to vector<32xf32>
    %reshape3A_269 = vector.shape_cast %squeeze3A_268 : vector<32xf32> to vector<32x1x1xf32>
    %mul3A_270 = vector.broadcast %reshape3A_269 : vector<32x1x1xf32> to vector<32x112x112xf32>
    %mul3A_271 = arith.mulf %mul3A_270, %convert_element_type3A_67 : vector<32x112x112xf32>
    %add3A_272 = arith.addf %add3A_266, %mul3A_271 : vector<32x112x112xf32>
    %slice3A_273 = vector.extract_strided_slice %convert_element_type3A_43 {offsets = [0, 0, 1], sizes = [32, 112, 111], strides = [1, 1, 1]} : vector<32x112x112xf32> to vector<32x112x111xf32>
    %broadcast_in_dim3A_274 = arith.constant 0.000000e+00 : f32
    %broadcast_in_dim3A_275 = vector.broadcast %broadcast_in_dim3A_274 : f32 to vector<32x112x1xf32>
    %concatenate3A_276 = tpu.concatenate %slice3A_273, %broadcast_in_dim3A_275 in 2 : vector<32x112x111xf32>, vector<32x112x1xf32> -> vector<32x112x112xf32>
    %slice3A_277 = vector.extract_strided_slice %convert_element_type3A_72 {offsets = [0, 8], sizes = [32, 1], strides = [1, 1]} : vector<32x9xf32> to vector<32x1xf32>
    %squeeze3A_278 = vector.shape_cast %slice3A_277 : vector<32x1xf32> to vector<32xf32>
    %reshape3A_279 = vector.shape_cast %squeeze3A_278 : vector<32xf32> to vector<32x1x1xf32>
    %mul3A_280 = vector.broadcast %reshape3A_279 : vector<32x1x1xf32> to vector<32x112x112xf32>
    %mul3A_281 = arith.mulf %mul3A_280, %concatenate3A_276 : vector<32x112x112xf32>
    %add3A_282 = arith.addf %add3A_272, %mul3A_281 : vector<32x112x112xf32>
    %reduce_sum3A_283 = arith.constant dense<0.000000e+00> : vector<112x112xf32>
    %reduce_sum3A_284 = vector.multi_reduction <add>, %add3A_282, %reduce_sum3A_283 [0] : vector<32x112x112xf32> to vector<112x112xf32>
    %gt3A_285 = arith.constant 0.000000e+00 : f32
    %gt3A_286 = vector.broadcast %gt3A_285 : f32 to vector<112x112xf32>
    %gt3A_287 = arith.cmpf ogt, %reduce_sum3A_284, %gt3A_286 : vector<112x112xf32>
    %convert_element_type3A_288 = arith.extui %gt3A_287 : vector<112x112xi1> to vector<112x112xi32>
    %convert_element_type3A_289 = arith.sitofp %convert_element_type3A_288 : vector<112x112xi32> to vector<112x112xf32>
    %dot_general3A_290 = arith.constant dense<0.000000e+00> : vector<112x224xf32>
    %dot_general3A_291 = tpu.matmul %reduce_sum3A_284, %convert_element_type3A_114, %dot_general3A_290 {dimension_numbers = #tpu.dot_dimension_numbers<[1], [0], [0], [1], [0, 0, 1, 1], [], []>, transpose_lhs_hint = false} : vector<112x112xf32>, vector<112x224xf32>, vector<112x224xf32> -> vector<112x224xf32>
    %dot_general3A_292 = arith.constant dense<0.000000e+00> : vector<224x224xf32>
    %dot_general3A_293 = tpu.matmul %convert_element_type3A_81, %dot_general3A_291, %dot_general3A_292 {dimension_numbers = #tpu.dot_dimension_numbers<[1], [0], [0], [1], [0, 0, 1, 1], [], []>, transpose_lhs_hint = false} : vector<224x112xf32>, vector<112x224xf32>, vector<224x224xf32> -> vector<224x224xf32>
    %add3A_294 = arith.addf %add3A_202, %dot_general3A_293 : vector<224x224xf32>
    %broadcast_in_dim3A_295 = arith.constant 0.000000e+00 : f32
    %broadcast_in_dim3A_296 = vector.broadcast %broadcast_in_dim3A_295 : f32 to vector<32x112x112xf32>
    %broadcast_in_dim3A_297 = arith.constant 0.000000e+00 : f32
    %broadcast_in_dim3A_298 = vector.broadcast %broadcast_in_dim3A_297 : f32 to vector<32x112x1xf32>
    %slice3A_299 = vector.extract_strided_slice %convert_element_type3A_58 {offsets = [0, 0, 0], sizes = [32, 112, 111], strides = [1, 1, 1]} : vector<32x112x112xf32> to vector<32x112x111xf32>
    %concatenate3A_300 = tpu.concatenate %broadcast_in_dim3A_298, %slice3A_299 in 2 : vector<32x112x1xf32>, vector<32x112x111xf32> -> vector<32x112x112xf32>
    %slice3A_301 = vector.extract_strided_slice %convert_element_type3A_72 {offsets = [0, 0], sizes = [32, 1], strides = [1, 1]} : vector<32x9xf32> to vector<32x1xf32>
    %squeeze3A_302 = vector.shape_cast %slice3A_301 : vector<32x1xf32> to vector<32xf32>
    %reshape3A_303 = vector.shape_cast %squeeze3A_302 : vector<32xf32> to vector<32x1x1xf32>
    %mul3A_304 = vector.broadcast %reshape3A_303 : vector<32x1x1xf32> to vector<32x112x112xf32>
    %mul3A_305 = arith.mulf %mul3A_304, %concatenate3A_300 : vector<32x112x112xf32>
    %add3A_306 = arith.addf %broadcast_in_dim3A_296, %mul3A_305 : vector<32x112x112xf32>
    %slice3A_307 = vector.extract_strided_slice %convert_element_type3A_72 {offsets = [0, 1], sizes = [32, 1], strides = [1, 1]} : vector<32x9xf32> to vector<32x1xf32>
    %squeeze3A_308 = vector.shape_cast %slice3A_307 : vector<32x1xf32> to vector<32xf32>
    %reshape3A_309 = vector.shape_cast %squeeze3A_308 : vector<32xf32> to vector<32x1x1xf32>
    %mul3A_310 = vector.broadcast %reshape3A_309 : vector<32x1x1xf32> to vector<32x112x112xf32>
    %mul3A_311 = arith.mulf %mul3A_310, %convert_element_type3A_34 : vector<32x112x112xf32>
    %add3A_312 = arith.addf %add3A_306, %mul3A_311 : vector<32x112x112xf32>
    %slice3A_313 = vector.extract_strided_slice %convert_element_type3A_72 {offsets = [0, 2], sizes = [32, 1], strides = [1, 1]} : vector<32x9xf32> to vector<32x1xf32>
    %squeeze3A_314 = vector.shape_cast %slice3A_313 : vector<32x1xf32> to vector<32xf32>
    %reshape3A_315 = vector.shape_cast %squeeze3A_314 : vector<32xf32> to vector<32x1x1xf32>
    %mul3A_316 = vector.broadcast %reshape3A_315 : vector<32x1x1xf32> to vector<32x112x112xf32>
    %mul3A_317 = arith.mulf %mul3A_316, %convert_element_type3A_58 : vector<32x112x112xf32>
    %add3A_318 = arith.addf %add3A_312, %mul3A_317 : vector<32x112x112xf32>
    %broadcast_in_dim3A_319 = arith.constant 0.000000e+00 : f32
    %broadcast_in_dim3A_320 = vector.broadcast %broadcast_in_dim3A_319 : f32 to vector<32x112x1xf32>
    %slice3A_321 = vector.extract_strided_slice %convert_element_type3A_67 {offsets = [0, 0, 0], sizes = [32, 112, 111], strides = [1, 1, 1]} : vector<32x112x112xf32> to vector<32x112x111xf32>
    %concatenate3A_322 = tpu.concatenate %broadcast_in_dim3A_320, %slice3A_321 in 2 : vector<32x112x1xf32>, vector<32x112x111xf32> -> vector<32x112x112xf32>
    %slice3A_323 = vector.extract_strided_slice %convert_element_type3A_72 {offsets = [0, 3], sizes = [32, 1], strides = [1, 1]} : vector<32x9xf32> to vector<32x1xf32>
    %squeeze3A_324 = vector.shape_cast %slice3A_323 : vector<32x1xf32> to vector<32xf32>
    %reshape3A_325 = vector.shape_cast %squeeze3A_324 : vector<32xf32> to vector<32x1x1xf32>
    %mul3A_326 = vector.broadcast %reshape3A_325 : vector<32x1x1xf32> to vector<32x112x112xf32>
    %mul3A_327 = arith.mulf %mul3A_326, %concatenate3A_322 : vector<32x112x112xf32>
    %add3A_328 = arith.addf %add3A_318, %mul3A_327 : vector<32x112x112xf32>
    %slice3A_329 = vector.extract_strided_slice %convert_element_type3A_72 {offsets = [0, 4], sizes = [32, 1], strides = [1, 1]} : vector<32x9xf32> to vector<32x1xf32>
    %squeeze3A_330 = vector.shape_cast %slice3A_329 : vector<32x1xf32> to vector<32xf32>
    %reshape3A_331 = vector.shape_cast %squeeze3A_330 : vector<32xf32> to vector<32x1x1xf32>
    %mul3A_332 = vector.broadcast %reshape3A_331 : vector<32x1x1xf32> to vector<32x112x112xf32>
    %mul3A_333 = arith.mulf %mul3A_332, %convert_element_type3A_43 : vector<32x112x112xf32>
    %add3A_334 = arith.addf %add3A_328, %mul3A_333 : vector<32x112x112xf32>
    %slice3A_335 = vector.extract_strided_slice %convert_element_type3A_72 {offsets = [0, 5], sizes = [32, 1], strides = [1, 1]} : vector<32x9xf32> to vector<32x1xf32>
    %squeeze3A_336 = vector.shape_cast %slice3A_335 : vector<32x1xf32> to vector<32xf32>
    %reshape3A_337 = vector.shape_cast %squeeze3A_336 : vector<32xf32> to vector<32x1x1xf32>
    %mul3A_338 = vector.broadcast %reshape3A_337 : vector<32x1x1xf32> to vector<32x112x112xf32>
    %mul3A_339 = arith.mulf %mul3A_338, %convert_element_type3A_67 : vector<32x112x112xf32>
    %add3A_340 = arith.addf %add3A_334, %mul3A_339 : vector<32x112x112xf32>
    %slice3A_341 = vector.extract_strided_slice %convert_element_type3A_58 {offsets = [0, 1, 0], sizes = [32, 111, 112], strides = [1, 1, 1]} : vector<32x112x112xf32> to vector<32x111x112xf32>
    %broadcast_in_dim3A_342 = arith.constant 0.000000e+00 : f32
    %broadcast_in_dim3A_343 = vector.broadcast %broadcast_in_dim3A_342 : f32 to vector<32x1x112xf32>
    %concatenate3A_344 = tpu.concatenate %slice3A_341, %broadcast_in_dim3A_343 in 1 : vector<32x111x112xf32>, vector<32x1x112xf32> -> vector<32x112x112xf32>
    %broadcast_in_dim3A_345 = arith.constant 0.000000e+00 : f32
    %broadcast_in_dim3A_346 = vector.broadcast %broadcast_in_dim3A_345 : f32 to vector<32x112x1xf32>
    %slice3A_347 = vector.extract_strided_slice %concatenate3A_344 {offsets = [0, 0, 0], sizes = [32, 112, 111], strides = [1, 1, 1]} : vector<32x112x112xf32> to vector<32x112x111xf32>
    %concatenate3A_348 = tpu.concatenate %broadcast_in_dim3A_346, %slice3A_347 in 2 : vector<32x112x1xf32>, vector<32x112x111xf32> -> vector<32x112x112xf32>
    %slice3A_349 = vector.extract_strided_slice %convert_element_type3A_72 {offsets = [0, 6], sizes = [32, 1], strides = [1, 1]} : vector<32x9xf32> to vector<32x1xf32>
    %squeeze3A_350 = vector.shape_cast %slice3A_349 : vector<32x1xf32> to vector<32xf32>
    %reshape3A_351 = vector.shape_cast %squeeze3A_350 : vector<32xf32> to vector<32x1x1xf32>
    %mul3A_352 = vector.broadcast %reshape3A_351 : vector<32x1x1xf32> to vector<32x112x112xf32>
    %mul3A_353 = arith.mulf %mul3A_352, %concatenate3A_348 : vector<32x112x112xf32>
    %add3A_354 = arith.addf %add3A_340, %mul3A_353 : vector<32x112x112xf32>
    %slice3A_355 = vector.extract_strided_slice %convert_element_type3A_34 {offsets = [0, 1, 0], sizes = [32, 111, 112], strides = [1, 1, 1]} : vector<32x112x112xf32> to vector<32x111x112xf32>
    %broadcast_in_dim3A_356 = arith.constant 0.000000e+00 : f32
    %broadcast_in_dim3A_357 = vector.broadcast %broadcast_in_dim3A_356 : f32 to vector<32x1x112xf32>
    %concatenate3A_358 = tpu.concatenate %slice3A_355, %broadcast_in_dim3A_357 in 1 : vector<32x111x112xf32>, vector<32x1x112xf32> -> vector<32x112x112xf32>
    %slice3A_359 = vector.extract_strided_slice %convert_element_type3A_72 {offsets = [0, 7], sizes = [32, 1], strides = [1, 1]} : vector<32x9xf32> to vector<32x1xf32>
    %squeeze3A_360 = vector.shape_cast %slice3A_359 : vector<32x1xf32> to vector<32xf32>
    %reshape3A_361 = vector.shape_cast %squeeze3A_360 : vector<32xf32> to vector<32x1x1xf32>
    %mul3A_362 = vector.broadcast %reshape3A_361 : vector<32x1x1xf32> to vector<32x112x112xf32>
    %mul3A_363 = arith.mulf %mul3A_362, %concatenate3A_358 : vector<32x112x112xf32>
    %add3A_364 = arith.addf %add3A_354, %mul3A_363 : vector<32x112x112xf32>
    %slice3A_365 = vector.extract_strided_slice %convert_element_type3A_58 {offsets = [0, 1, 0], sizes = [32, 111, 112], strides = [1, 1, 1]} : vector<32x112x112xf32> to vector<32x111x112xf32>
    %broadcast_in_dim3A_366 = arith.constant 0.000000e+00 : f32
    %broadcast_in_dim3A_367 = vector.broadcast %broadcast_in_dim3A_366 : f32 to vector<32x1x112xf32>
    %concatenate3A_368 = tpu.concatenate %slice3A_365, %broadcast_in_dim3A_367 in 1 : vector<32x111x112xf32>, vector<32x1x112xf32> -> vector<32x112x112xf32>
    %slice3A_369 = vector.extract_strided_slice %convert_element_type3A_72 {offsets = [0, 8], sizes = [32, 1], strides = [1, 1]} : vector<32x9xf32> to vector<32x1xf32>
    %squeeze3A_370 = vector.shape_cast %slice3A_369 : vector<32x1xf32> to vector<32xf32>
    %reshape3A_371 = vector.shape_cast %squeeze3A_370 : vector<32xf32> to vector<32x1x1xf32>
    %mul3A_372 = vector.broadcast %reshape3A_371 : vector<32x1x1xf32> to vector<32x112x112xf32>
    %mul3A_373 = arith.mulf %mul3A_372, %concatenate3A_368 : vector<32x112x112xf32>
    %add3A_374 = arith.addf %add3A_364, %mul3A_373 : vector<32x112x112xf32>
    %reduce_sum3A_375 = arith.constant dense<0.000000e+00> : vector<112x112xf32>
    %reduce_sum3A_376 = vector.multi_reduction <add>, %add3A_374, %reduce_sum3A_375 [0] : vector<32x112x112xf32> to vector<112x112xf32>
    %gt3A_377 = arith.constant 0.000000e+00 : f32
    %gt3A_378 = vector.broadcast %gt3A_377 : f32 to vector<112x112xf32>
    %gt3A_379 = arith.cmpf ogt, %reduce_sum3A_376, %gt3A_378 : vector<112x112xf32>
    %convert_element_type3A_380 = arith.extui %gt3A_379 : vector<112x112xi1> to vector<112x112xi32>
    %convert_element_type3A_381 = arith.sitofp %convert_element_type3A_380 : vector<112x112xi32> to vector<112x112xf32>
    %dot_general3A_382 = arith.constant dense<0.000000e+00> : vector<112x224xf32>
    %dot_general3A_383 = tpu.matmul %reduce_sum3A_376, %convert_element_type3A_103, %dot_general3A_382 {dimension_numbers = #tpu.dot_dimension_numbers<[1], [0], [0], [1], [0, 0, 1, 1], [], []>, transpose_lhs_hint = false} : vector<112x112xf32>, vector<112x224xf32>, vector<112x224xf32> -> vector<112x224xf32>
    %dot_general3A_384 = arith.constant dense<0.000000e+00> : vector<224x224xf32>
    %dot_general3A_385 = tpu.matmul %convert_element_type3A_92, %dot_general3A_383, %dot_general3A_384 {dimension_numbers = #tpu.dot_dimension_numbers<[1], [0], [0], [1], [0, 0, 1, 1], [], []>, transpose_lhs_hint = false} : vector<224x112xf32>, vector<112x224xf32>, vector<224x224xf32> -> vector<224x224xf32>
    %add3A_386 = arith.addf %add3A_294, %dot_general3A_385 : vector<224x224xf32>
    %broadcast_in_dim3A_387 = arith.constant 0.000000e+00 : f32
    %broadcast_in_dim3A_388 = vector.broadcast %broadcast_in_dim3A_387 : f32 to vector<32x112x112xf32>
    %slice3A_389 = vector.extract_strided_slice %convert_element_type3A_72 {offsets = [0, 0], sizes = [32, 1], strides = [1, 1]} : vector<32x9xf32> to vector<32x1xf32>
    %squeeze3A_390 = vector.shape_cast %slice3A_389 : vector<32x1xf32> to vector<32xf32>
    %reshape3A_391 = vector.shape_cast %squeeze3A_390 : vector<32xf32> to vector<32x1x1xf32>
    %mul3A_392 = vector.broadcast %reshape3A_391 : vector<32x1x1xf32> to vector<32x112x112xf32>
    %mul3A_393 = arith.mulf %mul3A_392, %convert_element_type3A_34 : vector<32x112x112xf32>
    %add3A_394 = arith.addf %broadcast_in_dim3A_388, %mul3A_393 : vector<32x112x112xf32>
    %slice3A_395 = vector.extract_strided_slice %convert_element_type3A_72 {offsets = [0, 1], sizes = [32, 1], strides = [1, 1]} : vector<32x9xf32> to vector<32x1xf32>
    %squeeze3A_396 = vector.shape_cast %slice3A_395 : vector<32x1xf32> to vector<32xf32>
    %reshape3A_397 = vector.shape_cast %squeeze3A_396 : vector<32xf32> to vector<32x1x1xf32>
    %mul3A_398 = vector.broadcast %reshape3A_397 : vector<32x1x1xf32> to vector<32x112x112xf32>
    %mul3A_399 = arith.mulf %mul3A_398, %convert_element_type3A_58 : vector<32x112x112xf32>
    %add3A_400 = arith.addf %add3A_394, %mul3A_399 : vector<32x112x112xf32>
    %slice3A_401 = vector.extract_strided_slice %convert_element_type3A_34 {offsets = [0, 0, 1], sizes = [32, 112, 111], strides = [1, 1, 1]} : vector<32x112x112xf32> to vector<32x112x111xf32>
    %broadcast_in_dim3A_402 = arith.constant 0.000000e+00 : f32
    %broadcast_in_dim3A_403 = vector.broadcast %broadcast_in_dim3A_402 : f32 to vector<32x112x1xf32>
    %concatenate3A_404 = tpu.concatenate %slice3A_401, %broadcast_in_dim3A_403 in 2 : vector<32x112x111xf32>, vector<32x112x1xf32> -> vector<32x112x112xf32>
    %slice3A_405 = vector.extract_strided_slice %convert_element_type3A_72 {offsets = [0, 2], sizes = [32, 1], strides = [1, 1]} : vector<32x9xf32> to vector<32x1xf32>
    %squeeze3A_406 = vector.shape_cast %slice3A_405 : vector<32x1xf32> to vector<32xf32>
    %reshape3A_407 = vector.shape_cast %squeeze3A_406 : vector<32xf32> to vector<32x1x1xf32>
    %mul3A_408 = vector.broadcast %reshape3A_407 : vector<32x1x1xf32> to vector<32x112x112xf32>
    %mul3A_409 = arith.mulf %mul3A_408, %concatenate3A_404 : vector<32x112x112xf32>
    %add3A_410 = arith.addf %add3A_400, %mul3A_409 : vector<32x112x112xf32>
    %slice3A_411 = vector.extract_strided_slice %convert_element_type3A_72 {offsets = [0, 3], sizes = [32, 1], strides = [1, 1]} : vector<32x9xf32> to vector<32x1xf32>
    %squeeze3A_412 = vector.shape_cast %slice3A_411 : vector<32x1xf32> to vector<32xf32>
    %reshape3A_413 = vector.shape_cast %squeeze3A_412 : vector<32xf32> to vector<32x1x1xf32>
    %mul3A_414 = vector.broadcast %reshape3A_413 : vector<32x1x1xf32> to vector<32x112x112xf32>
    %mul3A_415 = arith.mulf %mul3A_414, %convert_element_type3A_43 : vector<32x112x112xf32>
    %add3A_416 = arith.addf %add3A_410, %mul3A_415 : vector<32x112x112xf32>
    %slice3A_417 = vector.extract_strided_slice %convert_element_type3A_72 {offsets = [0, 4], sizes = [32, 1], strides = [1, 1]} : vector<32x9xf32> to vector<32x1xf32>
    %squeeze3A_418 = vector.shape_cast %slice3A_417 : vector<32x1xf32> to vector<32xf32>
    %reshape3A_419 = vector.shape_cast %squeeze3A_418 : vector<32xf32> to vector<32x1x1xf32>
    %mul3A_420 = vector.broadcast %reshape3A_419 : vector<32x1x1xf32> to vector<32x112x112xf32>
    %mul3A_421 = arith.mulf %mul3A_420, %convert_element_type3A_67 : vector<32x112x112xf32>
    %add3A_422 = arith.addf %add3A_416, %mul3A_421 : vector<32x112x112xf32>
    %slice3A_423 = vector.extract_strided_slice %convert_element_type3A_43 {offsets = [0, 0, 1], sizes = [32, 112, 111], strides = [1, 1, 1]} : vector<32x112x112xf32> to vector<32x112x111xf32>
    %broadcast_in_dim3A_424 = arith.constant 0.000000e+00 : f32
    %broadcast_in_dim3A_425 = vector.broadcast %broadcast_in_dim3A_424 : f32 to vector<32x112x1xf32>
    %concatenate3A_426 = tpu.concatenate %slice3A_423, %broadcast_in_dim3A_425 in 2 : vector<32x112x111xf32>, vector<32x112x1xf32> -> vector<32x112x112xf32>
    %slice3A_427 = vector.extract_strided_slice %convert_element_type3A_72 {offsets = [0, 5], sizes = [32, 1], strides = [1, 1]} : vector<32x9xf32> to vector<32x1xf32>
    %squeeze3A_428 = vector.shape_cast %slice3A_427 : vector<32x1xf32> to vector<32xf32>
    %reshape3A_429 = vector.shape_cast %squeeze3A_428 : vector<32xf32> to vector<32x1x1xf32>
    %mul3A_430 = vector.broadcast %reshape3A_429 : vector<32x1x1xf32> to vector<32x112x112xf32>
    %mul3A_431 = arith.mulf %mul3A_430, %concatenate3A_426 : vector<32x112x112xf32>
    %add3A_432 = arith.addf %add3A_422, %mul3A_431 : vector<32x112x112xf32>
    %slice3A_433 = vector.extract_strided_slice %convert_element_type3A_34 {offsets = [0, 1, 0], sizes = [32, 111, 112], strides = [1, 1, 1]} : vector<32x112x112xf32> to vector<32x111x112xf32>
    %broadcast_in_dim3A_434 = arith.constant 0.000000e+00 : f32
    %broadcast_in_dim3A_435 = vector.broadcast %broadcast_in_dim3A_434 : f32 to vector<32x1x112xf32>
    %concatenate3A_436 = tpu.concatenate %slice3A_433, %broadcast_in_dim3A_435 in 1 : vector<32x111x112xf32>, vector<32x1x112xf32> -> vector<32x112x112xf32>
    %slice3A_437 = vector.extract_strided_slice %convert_element_type3A_72 {offsets = [0, 6], sizes = [32, 1], strides = [1, 1]} : vector<32x9xf32> to vector<32x1xf32>
    %squeeze3A_438 = vector.shape_cast %slice3A_437 : vector<32x1xf32> to vector<32xf32>
    %reshape3A_439 = vector.shape_cast %squeeze3A_438 : vector<32xf32> to vector<32x1x1xf32>
    %mul3A_440 = vector.broadcast %reshape3A_439 : vector<32x1x1xf32> to vector<32x112x112xf32>
    %mul3A_441 = arith.mulf %mul3A_440, %concatenate3A_436 : vector<32x112x112xf32>
    %add3A_442 = arith.addf %add3A_432, %mul3A_441 : vector<32x112x112xf32>
    %slice3A_443 = vector.extract_strided_slice %convert_element_type3A_58 {offsets = [0, 1, 0], sizes = [32, 111, 112], strides = [1, 1, 1]} : vector<32x112x112xf32> to vector<32x111x112xf32>
    %broadcast_in_dim3A_444 = arith.constant 0.000000e+00 : f32
    %broadcast_in_dim3A_445 = vector.broadcast %broadcast_in_dim3A_444 : f32 to vector<32x1x112xf32>
    %concatenate3A_446 = tpu.concatenate %slice3A_443, %broadcast_in_dim3A_445 in 1 : vector<32x111x112xf32>, vector<32x1x112xf32> -> vector<32x112x112xf32>
    %slice3A_447 = vector.extract_strided_slice %convert_element_type3A_72 {offsets = [0, 7], sizes = [32, 1], strides = [1, 1]} : vector<32x9xf32> to vector<32x1xf32>
    %squeeze3A_448 = vector.shape_cast %slice3A_447 : vector<32x1xf32> to vector<32xf32>
    %reshape3A_449 = vector.shape_cast %squeeze3A_448 : vector<32xf32> to vector<32x1x1xf32>
    %mul3A_450 = vector.broadcast %reshape3A_449 : vector<32x1x1xf32> to vector<32x112x112xf32>
    %mul3A_451 = arith.mulf %mul3A_450, %concatenate3A_446 : vector<32x112x112xf32>
    %add3A_452 = arith.addf %add3A_442, %mul3A_451 : vector<32x112x112xf32>
    %slice3A_453 = vector.extract_strided_slice %convert_element_type3A_34 {offsets = [0, 1, 0], sizes = [32, 111, 112], strides = [1, 1, 1]} : vector<32x112x112xf32> to vector<32x111x112xf32>
    %broadcast_in_dim3A_454 = arith.constant 0.000000e+00 : f32
    %broadcast_in_dim3A_455 = vector.broadcast %broadcast_in_dim3A_454 : f32 to vector<32x1x112xf32>
    %concatenate3A_456 = tpu.concatenate %slice3A_453, %broadcast_in_dim3A_455 in 1 : vector<32x111x112xf32>, vector<32x1x112xf32> -> vector<32x112x112xf32>
    %slice3A_457 = vector.extract_strided_slice %concatenate3A_456 {offsets = [0, 0, 1], sizes = [32, 112, 111], strides = [1, 1, 1]} : vector<32x112x112xf32> to vector<32x112x111xf32>
    %broadcast_in_dim3A_458 = arith.constant 0.000000e+00 : f32
    %broadcast_in_dim3A_459 = vector.broadcast %broadcast_in_dim3A_458 : f32 to vector<32x112x1xf32>
    %concatenate3A_460 = tpu.concatenate %slice3A_457, %broadcast_in_dim3A_459 in 2 : vector<32x112x111xf32>, vector<32x112x1xf32> -> vector<32x112x112xf32>
    %slice3A_461 = vector.extract_strided_slice %convert_element_type3A_72 {offsets = [0, 8], sizes = [32, 1], strides = [1, 1]} : vector<32x9xf32> to vector<32x1xf32>
    %squeeze3A_462 = vector.shape_cast %slice3A_461 : vector<32x1xf32> to vector<32xf32>
    %reshape3A_463 = vector.shape_cast %squeeze3A_462 : vector<32xf32> to vector<32x1x1xf32>
    %mul3A_464 = vector.broadcast %reshape3A_463 : vector<32x1x1xf32> to vector<32x112x112xf32>
    %mul3A_465 = arith.mulf %mul3A_464, %concatenate3A_460 : vector<32x112x112xf32>
    %add3A_466 = arith.addf %add3A_452, %mul3A_465 : vector<32x112x112xf32>
    %reduce_sum3A_467 = arith.constant dense<0.000000e+00> : vector<112x112xf32>
    %reduce_sum3A_468 = vector.multi_reduction <add>, %add3A_466, %reduce_sum3A_467 [0] : vector<32x112x112xf32> to vector<112x112xf32>
    %gt3A_469 = arith.constant 0.000000e+00 : f32
    %gt3A_470 = vector.broadcast %gt3A_469 : f32 to vector<112x112xf32>
    %gt3A_471 = arith.cmpf ogt, %reduce_sum3A_468, %gt3A_470 : vector<112x112xf32>
    %convert_element_type3A_472 = arith.extui %gt3A_471 : vector<112x112xi1> to vector<112x112xi32>
    %convert_element_type3A_473 = arith.sitofp %convert_element_type3A_472 : vector<112x112xi32> to vector<112x112xf32>
    %dot_general3A_474 = arith.constant dense<0.000000e+00> : vector<112x224xf32>
    %dot_general3A_475 = tpu.matmul %reduce_sum3A_468, %convert_element_type3A_114, %dot_general3A_474 {dimension_numbers = #tpu.dot_dimension_numbers<[1], [0], [0], [1], [0, 0, 1, 1], [], []>, transpose_lhs_hint = false} : vector<112x112xf32>, vector<112x224xf32>, vector<112x224xf32> -> vector<112x224xf32>
    %dot_general3A_476 = arith.constant dense<0.000000e+00> : vector<224x224xf32>
    %dot_general3A_477 = tpu.matmul %convert_element_type3A_92, %dot_general3A_475, %dot_general3A_476 {dimension_numbers = #tpu.dot_dimension_numbers<[1], [0], [0], [1], [0, 0, 1, 1], [], []>, transpose_lhs_hint = false} : vector<224x112xf32>, vector<112x224xf32>, vector<224x224xf32> -> vector<224x224xf32>
    %add3A_478 = arith.addf %add3A_386, %dot_general3A_477 : vector<224x224xf32>
    %swap3A = arith.constant 0 : index
    %swap3A_479 = arith.constant 0 : index
    %swap3A_480 = arith.constant 0 : index
    %swap3A_481 = arith.constant 0 : index
    %swap3A_482 = vector.load %arg4[%swap3A, %swap3A_479, %swap3A_480, %swap3A_481] : memref<1x1x224x224xf32, #tpu.memory_space<vmem>>, vector<1x1x224x224xf32>
    %swap3A_483 = vector.shape_cast %swap3A_482 : vector<1x1x224x224xf32> to vector<224x224xf32>
    %swap3A_484 = vector.shape_cast %add3A_478 : vector<224x224xf32> to vector<1x1x224x224xf32>
    tpu.vector_store %arg4[%swap3A, %swap3A_479, %swap3A_480, %swap3A_481], %swap3A_484 {strides = array<i32>} : memref<1x1x224x224xf32, #tpu.memory_space<vmem>>, vector<1x1x224x224xf32>,
    %get3A_485 = arith.constant 0 : index
    %get3A_486 = arith.constant 0 : index
    %get3A_487 = arith.constant 0 : index
    %get3A_488 = arith.constant 0 : index
    %get3A_489 = vector.load %arg2[%get3A_485, %get3A_486, %get3A_487, %get3A_488] : memref<1x3x224x224xf32, #tpu.memory_space<vmem>>, vector<1x1x224x224xf32>
    %get3A_490 = vector.shape_cast %get3A_489 : vector<1x1x224x224xf32> to vector<224x224xf32>
    %dot_general3A_491 = arith.constant dense<0.000000e+00> : vector<112x224xf32>
    %dot_general3A_492 = tpu.matmul %convert_element_type3A_103, %get3A_490, %dot_general3A_491 {dimension_numbers = #tpu.dot_dimension_numbers<[1], [0], [0], [1], [0, 0, 1, 1], [], []>, transpose_lhs_hint = false} : vector<112x224xf32>, vector<224x224xf32>, vector<112x224xf32> -> vector<112x224xf32>
    %dot_general3A_493 = arith.constant dense<0.000000e+00> : vector<112x112xf32>
    %dot_general3A_494 = tpu.matmul %dot_general3A_492, %convert_element_type3A_81, %dot_general3A_493 {dimension_numbers = #tpu.dot_dimension_numbers<[1], [0], [0], [1], [0, 0, 1, 1], [], []>, transpose_lhs_hint = false} : vector<112x224xf32>, vector<224x112xf32>, vector<112x112xf32> -> vector<112x112xf32>
    %mul3A_495 = arith.mulf %dot_general3A_494, %convert_element_type3A_198 : vector<112x112xf32>
    %convert_element_type3A_496 = arith.truncf %mul3A_495 : vector<112x112xf32> to vector<112x112xbf16>
    %swap3A_497 = arith.constant 0 : index
    %swap3A_498 = arith.constant 0 : index
    %swap3A_499 = arith.constant 0 : index
    %swap3A_500 = arith.constant 0 : index
    %swap3A_501 = arith.constant 0 : index
    %swap3A_502 = arith.constant 0 : index
    %swap3A_503 = vector.load %arg5[%swap3A_497, %swap3A_498, %swap3A_499, %swap3A_500, %swap3A_501, %swap3A_502] : memref<1x3x2x2x112x112xbf16, #tpu.memory_space<vmem>>, vector<1x1x1x1x112x112xbf16>
    %swap3A_504 = vector.shape_cast %swap3A_503 : vector<1x1x1x1x112x112xbf16> to vector<112x112xbf16>
    %swap3A_505 = vector.shape_cast %convert_element_type3A_496 : vector<112x112xbf16> to vector<1x1x1x1x112x112xbf16>
    tpu.vector_store %arg5[%swap3A_497, %swap3A_498, %swap3A_499, %swap3A_500, %swap3A_501, %swap3A_502], %swap3A_505 {strides = array<i32>} : memref<1x3x2x2x112x112xbf16, #tpu.memory_space<vmem>>, vector<1x1x1x1x112x112xbf16>,
    %dot_general3A_506 = arith.constant dense<0.000000e+00> : vector<112x112xf32>
    %dot_general3A_507 = tpu.matmul %dot_general3A_492, %convert_element_type3A_92, %dot_general3A_506 {dimension_numbers = #tpu.dot_dimension_numbers<[1], [0], [0], [1], [0, 0, 1, 1], [], []>, transpose_lhs_hint = false} : vector<112x224xf32>, vector<224x112xf32>, vector<112x112xf32> -> vector<112x112xf32>
    %mul3A_508 = arith.mulf %dot_general3A_507, %convert_element_type3A_289 : vector<112x112xf32>
    %convert_element_type3A_509 = arith.truncf %mul3A_508 : vector<112x112xf32> to vector<112x112xbf16>
    %swap3A_510 = arith.constant 0 : index
    %swap3A_511 = arith.constant 0 : index
    %swap3A_512 = arith.constant 0 : index
    %swap3A_513 = arith.constant 1 : index
    %swap3A_514 = arith.constant 0 : index
    %swap3A_515 = arith.constant 0 : index
    %swap3A_516 = vector.load %arg5[%swap3A_510, %swap3A_511, %swap3A_512, %swap3A_513, %swap3A_514, %swap3A_515] : memref<1x3x2x2x112x112xbf16, #tpu.memory_space<vmem>>, vector<1x1x1x1x112x112xbf16>
    %swap3A_517 = vector.shape_cast %swap3A_516 : vector<1x1x1x1x112x112xbf16> to vector<112x112xbf16>
    %swap3A_518 = vector.shape_cast %convert_element_type3A_509 : vector<112x112xbf16> to vector<1x1x1x1x112x112xbf16>
    tpu.vector_store %arg5[%swap3A_510, %swap3A_511, %swap3A_512, %swap3A_513, %swap3A_514, %swap3A_515], %swap3A_518 {strides = array<i32>} : memref<1x3x2x2x112x112xbf16, #tpu.memory_space<vmem>>, vector<1x1x1x1x112x112xbf16>,
    %dot_general3A_519 = arith.constant dense<0.000000e+00> : vector<112x224xf32>
    %dot_general3A_520 = tpu.matmul %convert_element_type3A_114, %get3A_490, %dot_general3A_519 {dimension_numbers = #tpu.dot_dimension_numbers<[1], [0], [0], [1], [0, 0, 1, 1], [], []>, transpose_lhs_hint = false} : vector<112x224xf32>, vector<224x224xf32>, vector<112x224xf32> -> vector<112x224xf32>
    %dot_general3A_521 = arith.constant dense<0.000000e+00> : vector<112x112xf32>
    %dot_general3A_522 = tpu.matmul %dot_general3A_520, %convert_element_type3A_81, %dot_general3A_521 {dimension_numbers = #tpu.dot_dimension_numbers<[1], [0], [0], [1], [0, 0, 1, 1], [], []>, transpose_lhs_hint = false} : vector<112x224xf32>, vector<224x112xf32>, vector<112x112xf32> -> vector<112x112xf32>
    %mul3A_523 = arith.mulf %dot_general3A_522, %convert_element_type3A_381 : vector<112x112xf32>
    %convert_element_type3A_524 = arith.truncf %mul3A_523 : vector<112x112xf32> to vector<112x112xbf16>
    %swap3A_525 = arith.constant 0 : index
    %swap3A_526 = arith.constant 0 : index
    %swap3A_527 = arith.constant 1 : index
    %swap3A_528 = arith.constant 0 : index
    %swap3A_529 = arith.constant 0 : index
    %swap3A_530 = arith.constant 0 : index
    %swap3A_531 = vector.load %arg5[%swap3A_525, %swap3A_526, %swap3A_527, %swap3A_528, %swap3A_529, %swap3A_530] : memref<1x3x2x2x112x112xbf16, #tpu.memory_space<vmem>>, vector<1x1x1x1x112x112xbf16>
    %swap3A_532 = vector.shape_cast %swap3A_531 : vector<1x1x1x1x112x112xbf16> to vector<112x112xbf16>
    %swap3A_533 = vector.shape_cast %convert_element_type3A_524 : vector<112x112xbf16> to vector<1x1x1x1x112x112xbf16>
    tpu.vector_store %arg5[%swap3A_525, %swap3A_526, %swap3A_527, %swap3A_528, %swap3A_529, %swap3A_530], %swap3A_533 {strides = array<i32>} : memref<1x3x2x2x112x112xbf16, #tpu.memory_space<vmem>>, vector<1x1x1x1x112x112xbf16>,
    %dot_general3A_534 = arith.constant dense<0.000000e+00> : vector<112x112xf32>
    %dot_general3A_535 = tpu.matmul %dot_general3A_520, %convert_element_type3A_92, %dot_general3A_534 {dimension_numbers = #tpu.dot_dimension_numbers<[1], [0], [0], [1], [0, 0, 1, 1], [], []>, transpose_lhs_hint = false} : vector<112x224xf32>, vector<224x112xf32>, vector<112x112xf32> -> vector<112x112xf32>
    %mul3A_536 = arith.mulf %dot_general3A_535, %convert_element_type3A_473 : vector<112x112xf32>
    %convert_element_type3A_537 = arith.truncf %mul3A_536 : vector<112x112xf32> to vector<112x112xbf16>
    %swap3A_538 = arith.constant 0 : index
    %swap3A_539 = arith.constant 0 : index
    %swap3A_540 = arith.constant 1 : index
    %swap3A_541 = arith.constant 1 : index
    %swap3A_542 = arith.constant 0 : index
    %swap3A_543 = arith.constant 0 : index
    %swap3A_544 = vector.load %arg5[%swap3A_538, %swap3A_539, %swap3A_540, %swap3A_541, %swap3A_542, %swap3A_543] : memref<1x3x2x2x112x112xbf16, #tpu.memory_space<vmem>>, vector<1x1x1x1x112x112xbf16>
    %swap3A_545 = vector.shape_cast %swap3A_544 : vector<1x1x1x1x112x112xbf16> to vector<112x112xbf16>
    %swap3A_546 = vector.shape_cast %convert_element_type3A_537 : vector<112x112xbf16> to vector<1x1x1x1x112x112xbf16>
    tpu.vector_store %arg5[%swap3A_538, %swap3A_539, %swap3A_540, %swap3A_541, %swap3A_542, %swap3A_543], %swap3A_546 {strides = array<i32>} : memref<1x3x2x2x112x112xbf16, #tpu.memory_space<vmem>>, vector<1x1x1x1x112x112xbf16>,
    %get3A_547 = arith.constant 0 : index
    %get3A_548 = arith.constant 1 : index
    %get3A_549 = arith.constant 0 : index
    %get3A_550 = arith.constant 0 : index
    %get3A_551 = vector.load %arg2[%get3A_547, %get3A_548, %get3A_549, %get3A_550] : memref<1x3x224x224xf32, #tpu.memory_space<vmem>>, vector<1x1x224x224xf32>
    %get3A_552 = vector.shape_cast %get3A_551 : vector<1x1x224x224xf32> to vector<224x224xf32>
    %dot_general3A_553 = arith.constant dense<0.000000e+00> : vector<112x224xf32>
    %dot_general3A_554 = tpu.matmul %convert_element_type3A_103, %get3A_552, %dot_general3A_553 {dimension_numbers = #tpu.dot_dimension_numbers<[1], [0], [0], [1], [0, 0, 1, 1], [], []>, transpose_lhs_hint = false} : vector<112x224xf32>, vector<224x224xf32>, vector<112x224xf32> -> vector<112x224xf32>
    %dot_general3A_555 = arith.constant dense<0.000000e+00> : vector<112x112xf32>
    %dot_general3A_556 = tpu.matmul %dot_general3A_554, %convert_element_type3A_81, %dot_general3A_555 {dimension_numbers = #tpu.dot_dimension_numbers<[1], [0], [0], [1], [0, 0, 1, 1], [], []>, transpose_lhs_hint = false} : vector<112x224xf32>, vector<224x112xf32>, vector<112x112xf32> -> vector<112x112xf32>
    %mul3A_557 = arith.mulf %dot_general3A_556, %convert_element_type3A_198 : vector<112x112xf32>
    %convert_element_type3A_558 = arith.truncf %mul3A_557 : vector<112x112xf32> to vector<112x112xbf16>
    %swap3A_559 = arith.constant 0 : index
    %swap3A_560 = arith.constant 1 : index
    %swap3A_561 = arith.constant 0 : index
    %swap3A_562 = arith.constant 0 : index
    %swap3A_563 = arith.constant 0 : index
    %swap3A_564 = arith.constant 0 : index
    %swap3A_565 = vector.load %arg5[%swap3A_559, %swap3A_560, %swap3A_561, %swap3A_562, %swap3A_563, %swap3A_564] : memref<1x3x2x2x112x112xbf16, #tpu.memory_space<vmem>>, vector<1x1x1x1x112x112xbf16>
    %swap3A_566 = vector.shape_cast %swap3A_565 : vector<1x1x1x1x112x112xbf16> to vector<112x112xbf16>
    %swap3A_567 = vector.shape_cast %convert_element_type3A_558 : vector<112x112xbf16> to vector<1x1x1x1x112x112xbf16>
    tpu.vector_store %arg5[%swap3A_559, %swap3A_560, %swap3A_561, %swap3A_562, %swap3A_563, %swap3A_564], %swap3A_567 {strides = array<i32>} : memref<1x3x2x2x112x112xbf16, #tpu.memory_space<vmem>>, vector<1x1x1x1x112x112xbf16>,
    %dot_general3A_568 = arith.constant dense<0.000000e+00> : vector<112x112xf32>
    %dot_general3A_569 = tpu.matmul %dot_general3A_554, %convert_element_type3A_92, %dot_general3A_568 {dimension_numbers = #tpu.dot_dimension_numbers<[1], [0], [0], [1], [0, 0, 1, 1], [], []>, transpose_lhs_hint = false} : vector<112x224xf32>, vector<224x112xf32>, vector<112x112xf32> -> vector<112x112xf32>
    %mul3A_570 = arith.mulf %dot_general3A_569, %convert_element_type3A_289 : vector<112x112xf32>
    %convert_element_type3A_571 = arith.truncf %mul3A_570 : vector<112x112xf32> to vector<112x112xbf16>
    %swap3A_572 = arith.constant 0 : index
    %swap3A_573 = arith.constant 1 : index
    %swap3A_574 = arith.constant 0 : index
    %swap3A_575 = arith.constant 1 : index
    %swap3A_576 = arith.constant 0 : index
    %swap3A_577 = arith.constant 0 : index
    %swap3A_578 = vector.load %arg5[%swap3A_572, %swap3A_573, %swap3A_574, %swap3A_575, %swap3A_576, %swap3A_577] : memref<1x3x2x2x112x112xbf16, #tpu.memory_space<vmem>>, vector<1x1x1x1x112x112xbf16>
    %swap3A_579 = vector.shape_cast %swap3A_578 : vector<1x1x1x1x112x112xbf16> to vector<112x112xbf16>
    %swap3A_580 = vector.shape_cast %convert_element_type3A_571 : vector<112x112xbf16> to vector<1x1x1x1x112x112xbf16>
    tpu.vector_store %arg5[%swap3A_572, %swap3A_573, %swap3A_574, %swap3A_575, %swap3A_576, %swap3A_577], %swap3A_580 {strides = array<i32>} : memref<1x3x2x2x112x112xbf16, #tpu.memory_space<vmem>>, vector<1x1x1x1x112x112xbf16>,
    %dot_general3A_581 = arith.constant dense<0.000000e+00> : vector<112x224xf32>
    %dot_general3A_582 = tpu.matmul %convert_element_type3A_114, %get3A_552, %dot_general3A_581 {dimension_numbers = #tpu.dot_dimension_numbers<[1], [0], [0], [1], [0, 0, 1, 1], [], []>, transpose_lhs_hint = false} : vector<112x224xf32>, vector<224x224xf32>, vector<112x224xf32> -> vector<112x224xf32>
    %dot_general3A_583 = arith.constant dense<0.000000e+00> : vector<112x112xf32>
    %dot_general3A_584 = tpu.matmul %dot_general3A_582, %convert_element_type3A_81, %dot_general3A_583 {dimension_numbers = #tpu.dot_dimension_numbers<[1], [0], [0], [1], [0, 0, 1, 1], [], []>, transpose_lhs_hint = false} : vector<112x224xf32>, vector<224x112xf32>, vector<112x112xf32> -> vector<112x112xf32>
    %mul3A_585 = arith.mulf %dot_general3A_584, %convert_element_type3A_381 : vector<112x112xf32>
    %convert_element_type3A_586 = arith.truncf %mul3A_585 : vector<112x112xf32> to vector<112x112xbf16>
    %swap3A_587 = arith.constant 0 : index
    %swap3A_588 = arith.constant 1 : index
    %swap3A_589 = arith.constant 1 : index
    %swap3A_590 = arith.constant 0 : index
    %swap3A_591 = arith.constant 0 : index
    %swap3A_592 = arith.constant 0 : index
    %swap3A_593 = vector.load %arg5[%swap3A_587, %swap3A_588, %swap3A_589, %swap3A_590, %swap3A_591, %swap3A_592] : memref<1x3x2x2x112x112xbf16, #tpu.memory_space<vmem>>, vector<1x1x1x1x112x112xbf16>
    %swap3A_594 = vector.shape_cast %swap3A_593 : vector<1x1x1x1x112x112xbf16> to vector<112x112xbf16>
    %swap3A_595 = vector.shape_cast %convert_element_type3A_586 : vector<112x112xbf16> to vector<1x1x1x1x112x112xbf16>
    tpu.vector_store %arg5[%swap3A_587, %swap3A_588, %swap3A_589, %swap3A_590, %swap3A_591, %swap3A_592], %swap3A_595 {strides = array<i32>} : memref<1x3x2x2x112x112xbf16, #tpu.memory_space<vmem>>, vector<1x1x1x1x112x112xbf16>,
    %dot_general3A_596 = arith.constant dense<0.000000e+00> : vector<112x112xf32>
    %dot_general3A_597 = tpu.matmul %dot_general3A_582, %convert_element_type3A_92, %dot_general3A_596 {dimension_numbers = #tpu.dot_dimension_numbers<[1], [0], [0], [1], [0, 0, 1, 1], [], []>, transpose_lhs_hint = false} : vector<112x224xf32>, vector<224x112xf32>, vector<112x112xf32> -> vector<112x112xf32>
    %mul3A_598 = arith.mulf %dot_general3A_597, %convert_element_type3A_473 : vector<112x112xf32>
    %convert_element_type3A_599 = arith.truncf %mul3A_598 : vector<112x112xf32> to vector<112x112xbf16>
    %swap3A_600 = arith.constant 0 : index
    %swap3A_601 = arith.constant 1 : index
    %swap3A_602 = arith.constant 1 : index
    %swap3A_603 = arith.constant 1 : index
    %swap3A_604 = arith.constant 0 : index
    %swap3A_605 = arith.constant 0 : index
    %swap3A_606 = vector.load %arg5[%swap3A_600, %swap3A_601, %swap3A_602, %swap3A_603, %swap3A_604, %swap3A_605] : memref<1x3x2x2x112x112xbf16, #tpu.memory_space<vmem>>, vector<1x1x1x1x112x112xbf16>
    %swap3A_607 = vector.shape_cast %swap3A_606 : vector<1x1x1x1x112x112xbf16> to vector<112x112xbf16>
    %swap3A_608 = vector.shape_cast %convert_element_type3A_599 : vector<112x112xbf16> to vector<1x1x1x1x112x112xbf16>
    tpu.vector_store %arg5[%swap3A_600, %swap3A_601, %swap3A_602, %swap3A_603, %swap3A_604, %swap3A_605], %swap3A_608 {strides = array<i32>} : memref<1x3x2x2x112x112xbf16, #tpu.memory_space<vmem>>, vector<1x1x1x1x112x112xbf16>,
    %get3A_609 = arith.constant 0 : index
    %get3A_610 = arith.constant 2 : index
    %get3A_611 = arith.constant 0 : index
    %get3A_612 = arith.constant 0 : index
    %get3A_613 = vector.load %arg2[%get3A_609, %get3A_610, %get3A_611, %get3A_612] : memref<1x3x224x224xf32, #tpu.memory_space<vmem>>, vector<1x1x224x224xf32>
    %get3A_614 = vector.shape_cast %get3A_613 : vector<1x1x224x224xf32> to vector<224x224xf32>
    %dot_general3A_615 = arith.constant dense<0.000000e+00> : vector<112x224xf32>
    %dot_general3A_616 = tpu.matmul %convert_element_type3A_103, %get3A_614, %dot_general3A_615 {dimension_numbers = #tpu.dot_dimension_numbers<[1], [0], [0], [1], [0, 0, 1, 1], [], []>, transpose_lhs_hint = false} : vector<112x224xf32>, vector<224x224xf32>, vector<112x224xf32> -> vector<112x224xf32>
    %dot_general3A_617 = arith.constant dense<0.000000e+00> : vector<112x112xf32>
    %dot_general3A_618 = tpu.matmul %dot_general3A_616, %convert_element_type3A_81, %dot_general3A_617 {dimension_numbers = #tpu.dot_dimension_numbers<[1], [0], [0], [1], [0, 0, 1, 1], [], []>, transpose_lhs_hint = false} : vector<112x224xf32>, vector<224x112xf32>, vector<112x112xf32> -> vector<112x112xf32>
    %mul3A_619 = arith.mulf %dot_general3A_618, %convert_element_type3A_198 : vector<112x112xf32>
    %convert_element_type3A_620 = arith.truncf %mul3A_619 : vector<112x112xf32> to vector<112x112xbf16>
    %swap3A_621 = arith.constant 0 : index
    %swap3A_622 = arith.constant 2 : index
    %swap3A_623 = arith.constant 0 : index
    %swap3A_624 = arith.constant 0 : index
    %swap3A_625 = arith.constant 0 : index
    %swap3A_626 = arith.constant 0 : index
    %swap3A_627 = vector.load %arg5[%swap3A_621, %swap3A_622, %swap3A_623, %swap3A_624, %swap3A_625, %swap3A_626] : memref<1x3x2x2x112x112xbf16, #tpu.memory_space<vmem>>, vector<1x1x1x1x112x112xbf16>
    %swap3A_628 = vector.shape_cast %swap3A_627 : vector<1x1x1x1x112x112xbf16> to vector<112x112xbf16>
    %swap3A_629 = vector.shape_cast %convert_element_type3A_620 : vector<112x112xbf16> to vector<1x1x1x1x112x112xbf16>
    tpu.vector_store %arg5[%swap3A_621, %swap3A_622, %swap3A_623, %swap3A_624, %swap3A_625, %swap3A_626], %swap3A_629 {strides = array<i32>} : memref<1x3x2x2x112x112xbf16, #tpu.memory_space<vmem>>, vector<1x1x1x1x112x112xbf16>,
    %dot_general3A_630 = arith.constant dense<0.000000e+00> : vector<112x112xf32>
    %dot_general3A_631 = tpu.matmul %dot_general3A_616, %convert_element_type3A_92, %dot_general3A_630 {dimension_numbers = #tpu.dot_dimension_numbers<[1], [0], [0], [1], [0, 0, 1, 1], [], []>, transpose_lhs_hint = false} : vector<112x224xf32>, vector<224x112xf32>, vector<112x112xf32> -> vector<112x112xf32>
    %mul3A_632 = arith.mulf %dot_general3A_631, %convert_element_type3A_289 : vector<112x112xf32>
    %convert_element_type3A_633 = arith.truncf %mul3A_632 : vector<112x112xf32> to vector<112x112xbf16>
    %swap3A_634 = arith.constant 0 : index
    %swap3A_635 = arith.constant 2 : index
    %swap3A_636 = arith.constant 0 : index
    %swap3A_637 = arith.constant 1 : index
    %swap3A_638 = arith.constant 0 : index
    %swap3A_639 = arith.constant 0 : index
    %swap3A_640 = vector.load %arg5[%swap3A_634, %swap3A_635, %swap3A_636, %swap3A_637, %swap3A_638, %swap3A_639] : memref<1x3x2x2x112x112xbf16, #tpu.memory_space<vmem>>, vector<1x1x1x1x112x112xbf16>
    %swap3A_641 = vector.shape_cast %swap3A_640 : vector<1x1x1x1x112x112xbf16> to vector<112x112xbf16>
    %swap3A_642 = vector.shape_cast %convert_element_type3A_633 : vector<112x112xbf16> to vector<1x1x1x1x112x112xbf16>
    tpu.vector_store %arg5[%swap3A_634, %swap3A_635, %swap3A_636, %swap3A_637, %swap3A_638, %swap3A_639], %swap3A_642 {strides = array<i32>} : memref<1x3x2x2x112x112xbf16, #tpu.memory_space<vmem>>, vector<1x1x1x1x112x112xbf16>,
    %dot_general3A_643 = arith.constant dense<0.000000e+00> : vector<112x224xf32>
    %dot_general3A_644 = tpu.matmul %convert_element_type3A_114, %get3A_614, %dot_general3A_643 {dimension_numbers = #tpu.dot_dimension_numbers<[1], [0], [0], [1], [0, 0, 1, 1], [], []>, transpose_lhs_hint = false} : vector<112x224xf32>, vector<224x224xf32>, vector<112x224xf32> -> vector<112x224xf32>
    %dot_general3A_645 = arith.constant dense<0.000000e+00> : vector<112x112xf32>
    %dot_general3A_646 = tpu.matmul %dot_general3A_644, %convert_element_type3A_81, %dot_general3A_645 {dimension_numbers = #tpu.dot_dimension_numbers<[1], [0], [0], [1], [0, 0, 1, 1], [], []>, transpose_lhs_hint = false} : vector<112x224xf32>, vector<224x112xf32>, vector<112x112xf32> -> vector<112x112xf32>
    %mul3A_647 = arith.mulf %dot_general3A_646, %convert_element_type3A_381 : vector<112x112xf32>
    %convert_element_type3A_648 = arith.truncf %mul3A_647 : vector<112x112xf32> to vector<112x112xbf16>
    %swap3A_649 = arith.constant 0 : index
    %swap3A_650 = arith.constant 2 : index
    %swap3A_651 = arith.constant 1 : index
    %swap3A_652 = arith.constant 0 : index
    %swap3A_653 = arith.constant 0 : index
    %swap3A_654 = arith.constant 0 : index
    %swap3A_655 = vector.load %arg5[%swap3A_649, %swap3A_650, %swap3A_651, %swap3A_652, %swap3A_653, %swap3A_654] : memref<1x3x2x2x112x112xbf16, #tpu.memory_space<vmem>>, vector<1x1x1x1x112x112xbf16>
    %swap3A_656 = vector.shape_cast %swap3A_655 : vector<1x1x1x1x112x112xbf16> to vector<112x112xbf16>
    %swap3A_657 = vector.shape_cast %convert_element_type3A_648 : vector<112x112xbf16> to vector<1x1x1x1x112x112xbf16>
    tpu.vector_store %arg5[%swap3A_649, %swap3A_650, %swap3A_651, %swap3A_652, %swap3A_653, %swap3A_654], %swap3A_657 {strides = array<i32>} : memref<1x3x2x2x112x112xbf16, #tpu.memory_space<vmem>>, vector<1x1x1x1x112x112xbf16>,
    %dot_general3A_658 = arith.constant dense<0.000000e+00> : vector<112x112xf32>
    %dot_general3A_659 = tpu.matmul %dot_general3A_644, %convert_element_type3A_92, %dot_general3A_658 {dimension_numbers = #tpu.dot_dimension_numbers<[1], [0], [0], [1], [0, 0, 1, 1], [], []>, transpose_lhs_hint = false} : vector<112x224xf32>, vector<224x112xf32>, vector<112x112xf32> -> vector<112x112xf32>
    %mul3A_660 = arith.mulf %dot_general3A_659, %convert_element_type3A_473 : vector<112x112xf32>
    %convert_element_type3A_661 = arith.truncf %mul3A_660 : vector<112x112xf32> to vector<112x112xbf16>
    %swap3A_662 = arith.constant 0 : index
    %swap3A_663 = arith.constant 2 : index
    %swap3A_664 = arith.constant 1 : index
    %swap3A_665 = arith.constant 1 : index
    %swap3A_666 = arith.constant 0 : index
    %swap3A_667 = arith.constant 0 : index
    %swap3A_668 = vector.load %arg5[%swap3A_662, %swap3A_663, %swap3A_664, %swap3A_665, %swap3A_666, %swap3A_667] : memref<1x3x2x2x112x112xbf16, #tpu.memory_space<vmem>>, vector<1x1x1x1x112x112xbf16>
    %swap3A_669 = vector.shape_cast %swap3A_668 : vector<1x1x1x1x112x112xbf16> to vector<112x112xbf16>
    %swap3A_670 = vector.shape_cast %convert_element_type3A_661 : vector<112x112xbf16> to vector<1x1x1x1x112x112xbf16>
    tpu.vector_store %arg5[%swap3A_662, %swap3A_663, %swap3A_664, %swap3A_665, %swap3A_666, %swap3A_667], %swap3A_670 {strides = array<i32>} : memref<1x3x2x2x112x112xbf16, #tpu.memory_space<vmem>>, vector<1x1x1x1x112x112xbf16>,
    return
  }
  func.func @transform_0(%arg0: i32) -> (i32, i32, i32, i32) {
    %c0_i32 = arith.constant 0 : i32
    %c0_i32_0 = arith.constant 0 : i32
    %c0_i32_1 = arith.constant 0 : i32
    %c0_i32_2 = arith.constant 0 : i32
    return %arg0, %c0_i32, %c0_i32_0, %c0_i32_1 : i32, i32, i32, i32
  }
  func.func @transform_1(%arg0: i32) -> (i32, i32, i32, i32) {
    %c0_i32 = arith.constant 0 : i32
    %c0_i32_0 = arith.constant 0 : i32
    %c0_i32_1 = arith.constant 0 : i32
    %c0_i32_2 = arith.constant 0 : i32
    return %arg0, %c0_i32, %c0_i32_0, %c0_i32_1 : i32, i32, i32, i32
  }
  func.func @transform_2(%arg0: i32) -> (i32, i32) {
    %c0_i32 = arith.constant 0 : i32
    %c0_i32_0 = arith.constant 0 : i32
    %c0_i32_1 = arith.constant 0 : i32
    return %c0_i32, %c0_i32_0 : i32, i32
  }
  func.func @transform_3(%arg0: i32) -> (i32, i32, i32, i32) {
    %c0_i32 = arith.constant 0 : i32
    %c0_i32_0 = arith.constant 0 : i32
    %c0_i32_1 = arith.constant 0 : i32
    %c0_i32_2 = arith.constant 0 : i32
    return %arg0, %c0_i32, %c0_i32_0, %c0_i32_1 : i32, i32, i32, i32
  }
  func.func @transform_4(%arg0: i32) -> (i32, i32, i32, i32, i32, i32) {
    %c0_i32 = arith.constant 0 : i32
    %c0_i32_0 = arith.constant 0 : i32
    %c0_i32_1 = arith.constant 0 : i32
    %c0_i32_2 = arith.constant 0 : i32
    %c0_i32_3 = arith.constant 0 : i32
    %c0_i32_4 = arith.constant 0 : i32
    return %arg0, %c0_i32, %c0_i32_0, %c0_i32_1, %c0_i32_2, %c0_i32_3 : i32, i32, i32, i32, i32, i32
  }
}

module attributes {stable_mosaic.version = 14 : i64} {
  func.func @_mm_relu_body(%arg0: i32, %arg1: memref<3136x48xbf16, #tpu.memory_space<vmem>>, %arg2: memref<48x64xbf16, #tpu.memory_space<vmem>>, %arg3: memref<3136x64xf32, #tpu.memory_space<vmem>>) attributes {dimension_semantics = [#tpu.dimension_semantics<arbitrary>], iteration_bounds = array<i64: 8>, scalar_prefetch = 0 : i64, scratch_operands = 0 : i64, tpu.core_type = #tpu.core_type<tc>, window_params = [{transform_indices = @transform_0, window_bounds = array<i64: 3136, 48>}, {pipeline_mode = #tpu.pipeline_mode<synchronous>, transform_indices = @transform_1, window_bounds = array<i64: 48, 64>}, {transform_indices = @transform_2, window_bounds = array<i64: 3136, 64>}]} {
    %get3A = arith.constant 0 : index
    %get3A_0 = arith.constant 0 : index
    %get3A_1 = vector.load %arg1[%get3A, %get3A_0] : memref<3136x48xbf16, #tpu.memory_space<vmem>>, vector<3136x48xbf16>
    %get3A_2 = arith.constant 0 : index
    %get3A_3 = arith.constant 0 : index
    %get3A_4 = vector.load %arg2[%get3A_2, %get3A_3] : memref<48x64xbf16, #tpu.memory_space<vmem>>, vector<48x64xbf16>
    %dot_general3A = arith.constant dense<0.000000e+00> : vector<3136x64xf32>
    %dot_general3A_5 = tpu.matmul %get3A_1, %get3A_4, %dot_general3A {dimension_numbers = #tpu.dot_dimension_numbers<[1], [0], [0], [1], [0, 0, 1, 1], [], []>, transpose_lhs_hint = false} : vector<3136x48xbf16>, vector<48x64xbf16>, vector<3136x64xf32> -> vector<3136x64xf32>
    %max3A = arith.constant 0.000000e+00 : f32
    %max3A_6 = vector.broadcast %max3A : f32 to vector<3136x64xf32>
    %max3A_7 = arith.maximumf %dot_general3A_5, %max3A_6 : vector<3136x64xf32>
    %swap3A = arith.constant 0 : index
    %swap3A_8 = arith.constant 0 : index
    %swap3A_9 = vector.load %arg3[%swap3A, %swap3A_8] : memref<3136x64xf32, #tpu.memory_space<vmem>>, vector<3136x64xf32>
    tpu.vector_store %arg3[%swap3A, %swap3A_8], %max3A_7 {strides = array<i32>} : memref<3136x64xf32, #tpu.memory_space<vmem>>, vector<3136x64xf32>,
    return
  }
  func.func @transform_0(%arg0: i32) -> (i32, i32) {
    %c0_i32 = arith.constant 0 : i32
    %c0_i32_0 = arith.constant 0 : i32
    return %arg0, %c0_i32 : i32, i32
  }
  func.func @transform_1(%arg0: i32) -> (i32, i32) {
    %c0_i32 = arith.constant 0 : i32
    %c0_i32_0 = arith.constant 0 : i32
    %c0_i32_1 = arith.constant 0 : i32
    return %c0_i32, %c0_i32_0 : i32, i32
  }
  func.func @transform_2(%arg0: i32) -> (i32, i32) {
    %c0_i32 = arith.constant 0 : i32
    %c0_i32_0 = arith.constant 0 : i32
    return %arg0, %c0_i32 : i32, i32
  }
}

module attributes {stable_mosaic.version = 14 : i64} {
  func.func @_mm_relu_body(%arg0: i32, %arg1: memref<1568x1024xbf16, #tpu.memory_space<vmem>>, %arg2: memref<1024x128xbf16, #tpu.memory_space<vmem>>, %arg3: memref<1568x128xf32, #tpu.memory_space<vmem>>) attributes {dimension_semantics = [#tpu.dimension_semantics<arbitrary>], iteration_bounds = array<i64: 1>, scalar_prefetch = 0 : i64, scratch_operands = 0 : i64, tpu.core_type = #tpu.core_type<tc>, window_params = [{transform_indices = @transform_0, window_bounds = array<i64: 1568, 1024>}, {pipeline_mode = #tpu.pipeline_mode<synchronous>, transform_indices = @transform_1, window_bounds = array<i64: 1024, 128>}, {transform_indices = @transform_2, window_bounds = array<i64: 1568, 128>}]} {
    %get3A = arith.constant 0 : index
    %get3A_0 = arith.constant 0 : index
    %get3A_1 = vector.load %arg1[%get3A, %get3A_0] : memref<1568x1024xbf16, #tpu.memory_space<vmem>>, vector<1568x1024xbf16>
    %get3A_2 = arith.constant 0 : index
    %get3A_3 = arith.constant 0 : index
    %get3A_4 = vector.load %arg2[%get3A_2, %get3A_3] : memref<1024x128xbf16, #tpu.memory_space<vmem>>, vector<1024x128xbf16>
    %dot_general3A = arith.constant dense<0.000000e+00> : vector<1568x128xf32>
    %dot_general3A_5 = tpu.matmul %get3A_1, %get3A_4, %dot_general3A {dimension_numbers = #tpu.dot_dimension_numbers<[1], [0], [0], [1], [0, 0, 1, 1], [], []>, transpose_lhs_hint = false} : vector<1568x1024xbf16>, vector<1024x128xbf16>, vector<1568x128xf32> -> vector<1568x128xf32>
    %max3A = arith.constant 0.000000e+00 : f32
    %max3A_6 = vector.broadcast %max3A : f32 to vector<1568x128xf32>
    %max3A_7 = arith.maximumf %dot_general3A_5, %max3A_6 : vector<1568x128xf32>
    %swap3A = arith.constant 0 : index
    %swap3A_8 = arith.constant 0 : index
    %swap3A_9 = vector.load %arg3[%swap3A, %swap3A_8] : memref<1568x128xf32, #tpu.memory_space<vmem>>, vector<1568x128xf32>
    tpu.vector_store %arg3[%swap3A, %swap3A_8], %max3A_7 {strides = array<i32>} : memref<1568x128xf32, #tpu.memory_space<vmem>>, vector<1568x128xf32>,
    return
  }
  func.func @transform_0(%arg0: i32) -> (i32, i32) {
    %c0_i32 = arith.constant 0 : i32
    %c0_i32_0 = arith.constant 0 : i32
    return %arg0, %c0_i32 : i32, i32
  }
  func.func @transform_1(%arg0: i32) -> (i32, i32) {
    %c0_i32 = arith.constant 0 : i32
    %c0_i32_0 = arith.constant 0 : i32
    %c0_i32_1 = arith.constant 0 : i32
    return %c0_i32, %c0_i32_0 : i32, i32
  }
  func.func @transform_2(%arg0: i32) -> (i32, i32) {
    %c0_i32 = arith.constant 0 : i32
    %c0_i32_0 = arith.constant 0 : i32
    return %arg0, %c0_i32 : i32, i32
  }
}

module attributes {stable_mosaic.version = 14 : i64} {
  func.func @_mm_film_body(%arg0: memref<392x512xbf16, #tpu.memory_space<vmem>>, %arg1: memref<512x256xbf16, #tpu.memory_space<vmem>>, %arg2: memref<392x256xf32, #tpu.memory_space<vmem>>, %arg3: memref<392x256xf32, #tpu.memory_space<vmem>>, %arg4: memref<392x256xf32, #tpu.memory_space<vmem>>) attributes {dimension_semantics = [], scalar_prefetch = 0 : i64, scratch_operands = 0 : i64, tpu.core_type = #tpu.core_type<tc>} {
    %get3A = arith.constant 0 : index
    %get3A_0 = arith.constant 0 : index
    %get3A_1 = vector.load %arg0[%get3A, %get3A_0] : memref<392x512xbf16, #tpu.memory_space<vmem>>, vector<392x512xbf16>
    %get3A_2 = arith.constant 0 : index
    %get3A_3 = arith.constant 0 : index
    %get3A_4 = vector.load %arg1[%get3A_2, %get3A_3] : memref<512x256xbf16, #tpu.memory_space<vmem>>, vector<512x256xbf16>
    %dot_general3A = arith.constant dense<0.000000e+00> : vector<392x256xf32>
    %dot_general3A_5 = tpu.matmul %get3A_1, %get3A_4, %dot_general3A {dimension_numbers = #tpu.dot_dimension_numbers<[1], [0], [0], [1], [0, 0, 1, 1], [], []>, transpose_lhs_hint = false} : vector<392x512xbf16>, vector<512x256xbf16>, vector<392x256xf32> -> vector<392x256xf32>
    %get3A_6 = arith.constant 0 : index
    %get3A_7 = arith.constant 0 : index
    %get3A_8 = vector.load %arg2[%get3A_6, %get3A_7] : memref<392x256xf32, #tpu.memory_space<vmem>>, vector<392x256xf32>
    %add3A = arith.constant 1.000000e+00 : f32
    %add3A_9 = vector.broadcast %add3A : f32 to vector<392x256xf32>
    %add3A_10 = arith.addf %add3A_9, %get3A_8 : vector<392x256xf32>
    %mul3A = arith.mulf %dot_general3A_5, %add3A_10 : vector<392x256xf32>
    %get3A_11 = arith.constant 0 : index
    %get3A_12 = arith.constant 0 : index
    %get3A_13 = vector.load %arg3[%get3A_11, %get3A_12] : memref<392x256xf32, #tpu.memory_space<vmem>>, vector<392x256xf32>
    %add3A_14 = arith.addf %mul3A, %get3A_13 : vector<392x256xf32>
    %max3A = arith.constant 0.000000e+00 : f32
    %max3A_15 = vector.broadcast %max3A : f32 to vector<392x256xf32>
    %max3A_16 = arith.maximumf %add3A_14, %max3A_15 : vector<392x256xf32>
    %swap3A = arith.constant 0 : index
    %swap3A_17 = arith.constant 0 : index
    %swap3A_18 = vector.load %arg4[%swap3A, %swap3A_17] : memref<392x256xf32, #tpu.memory_space<vmem>>, vector<392x256xf32>
    tpu.vector_store %arg4[%swap3A, %swap3A_17], %max3A_16 {strides = array<i32>} : memref<392x256xf32, #tpu.memory_space<vmem>>, vector<392x256xf32>,
    return
  }
}

module attributes {stable_mosaic.version = 14 : i64} {
  func.func @_ffn_body(%arg0: i32, %arg1: memref<8x2176xf32, #tpu.memory_space<vmem>>, %arg2: memref<2176x1024xf32, #tpu.memory_space<vmem>>, %arg3: memref<1x1024xf32, #tpu.memory_space<vmem>>, %arg4: memref<1024x3129xf32, #tpu.memory_space<vmem>>, %arg5: memref<1x3129xf32, #tpu.memory_space<vmem>>, %arg6: memref<8x3129xf32, #tpu.memory_space<vmem>>, %arg7: memref<8x1024xf32, #tpu.memory_space<vmem>>) attributes {dimension_semantics = [#tpu.dimension_semantics<arbitrary>], iteration_bounds = array<i64: 6>, scalar_prefetch = 0 : i64, scratch_operands = 1 : i64, tpu.core_type = #tpu.core_type<tc>, window_params = [{transform_indices = @transform_0, window_bounds = array<i64: 8, 2176>}, {transform_indices = @transform_1, window_bounds = array<i64: 2176, 1024>}, {pipeline_mode = #tpu.pipeline_mode<synchronous>, transform_indices = @transform_2, window_bounds = array<i64: 1, 1024>}, {pipeline_mode = #tpu.pipeline_mode<synchronous>, transform_indices = @transform_3, window_bounds = array<i64: 1024, 3129>}, {pipeline_mode = #tpu.pipeline_mode<synchronous>, transform_indices = @transform_4, window_bounds = array<i64: 1, 3129>}, {pipeline_mode = #tpu.pipeline_mode<synchronous>, transform_indices = @transform_5, window_bounds = array<i64: 8, 3129>}]} {
    %eq3A = arith.constant 0 : i32
    %eq3A_0 = arith.cmpi eq, %arg0, %eq3A : i32
    %convert_element_type3A = arith.extui %eq3A_0 : i1 to i32
    %cond3A = arith.constant 0 : i32
    %cond3A_1 = arith.cmpi ne, %convert_element_type3A, %cond3A : i32
    scf.if %cond3A_1 {
      %broadcast_in_dim3A = arith.constant 0.000000e+00 : f32
      %broadcast_in_dim3A_18 = vector.broadcast %broadcast_in_dim3A : f32 to vector<8x1024xf32>
      %swap3A_19 = arith.constant 0 : index
      %swap3A_20 = arith.constant 0 : index
      %swap3A_21 = vector.load %arg7[%swap3A_19, %swap3A_20] : memref<8x1024xf32, #tpu.memory_space<vmem>>, vector<8x1024xf32>
      tpu.vector_store %arg7[%swap3A_19, %swap3A_20], %broadcast_in_dim3A_18 {strides = array<i32>} : memref<8x1024xf32, #tpu.memory_space<vmem>>, vector<8x1024xf32>,
    } else {
    }
    %get3A = arith.constant 0 : index
    %get3A_2 = arith.constant 0 : index
    %get3A_3 = vector.load %arg7[%get3A, %get3A_2] : memref<8x1024xf32, #tpu.memory_space<vmem>>, vector<8x1024xf32>
    %get3A_4 = arith.constant 0 : index
    %get3A_5 = arith.constant 0 : index
    %get3A_6 = vector.load %arg1[%get3A_4, %get3A_5] : memref<8x2176xf32, #tpu.memory_space<vmem>>, vector<8x2176xf32>
    %get3A_7 = arith.constant 0 : index
    %get3A_8 = arith.constant 0 : index
    %get3A_9 = vector.load %arg2[%get3A_7, %get3A_8] : memref<2176x1024xf32, #tpu.memory_space<vmem>>, vector<2176x1024xf32>
    %dot_general3A = arith.constant dense<0.000000e+00> : vector<8x1024xf32>
    %dot_general3A_10 = tpu.matmul %get3A_6, %get3A_9, %dot_general3A {dimension_numbers = #tpu.dot_dimension_numbers<[1], [0], [0], [1], [0, 0, 1, 1], [], []>, transpose_lhs_hint = false} : vector<8x2176xf32>, vector<2176x1024xf32>, vector<8x1024xf32> -> vector<8x1024xf32>
    %add3A = arith.addf %get3A_3, %dot_general3A_10 : vector<8x1024xf32>
    %swap3A = arith.constant 0 : index
    %swap3A_11 = arith.constant 0 : index
    %swap3A_12 = vector.load %arg7[%swap3A, %swap3A_11] : memref<8x1024xf32, #tpu.memory_space<vmem>>, vector<8x1024xf32>
    tpu.vector_store %arg7[%swap3A, %swap3A_11], %add3A {strides = array<i32>} : memref<8x1024xf32, #tpu.memory_space<vmem>>, vector<8x1024xf32>,
    %eq3A_13 = arith.constant 5 : i32
    %eq3A_14 = arith.cmpi eq, %arg0, %eq3A_13 : i32
    %convert_element_type3A_15 = arith.extui %eq3A_14 : i1 to i32
    %cond3A_16 = arith.constant 0 : i32
    %cond3A_17 = arith.cmpi ne, %convert_element_type3A_15, %cond3A_16 : i32
    scf.if %cond3A_17 {
      %get3A_18 = arith.constant 0 : index
      %get3A_19 = arith.constant 0 : index
      %get3A_20 = vector.load %arg7[%get3A_18, %get3A_19] : memref<8x1024xf32, #tpu.memory_space<vmem>>, vector<8x1024xf32>
      %get3A_21 = arith.constant 0 : index
      %get3A_22 = arith.constant 0 : index
      %get3A_23 = vector.load %arg3[%get3A_21, %get3A_22] : memref<1x1024xf32, #tpu.memory_space<vmem>>, vector<1x1024xf32>
      %add3A_24 = vector.broadcast %get3A_23 : vector<1x1024xf32> to vector<8x1024xf32>
      %add3A_25 = arith.addf %get3A_20, %add3A_24 : vector<8x1024xf32>
      %max3A = arith.constant 0.000000e+00 : f32
      %max3A_26 = vector.broadcast %max3A : f32 to vector<8x1024xf32>
      %max3A_27 = arith.maximumf %add3A_25, %max3A_26 : vector<8x1024xf32>
      %get3A_28 = arith.constant 0 : index
      %get3A_29 = arith.constant 0 : index
      %get3A_30 = vector.load %arg4[%get3A_28, %get3A_29] : memref<1024x3129xf32, #tpu.memory_space<vmem>>, vector<1024x3129xf32>
      %dot_general3A_31 = arith.constant dense<0.000000e+00> : vector<8x3129xf32>
      %dot_general3A_32 = tpu.matmul %max3A_27, %get3A_30, %dot_general3A_31 {dimension_numbers = #tpu.dot_dimension_numbers<[1], [0], [0], [1], [0, 0, 1, 1], [], []>, transpose_lhs_hint = false} : vector<8x1024xf32>, vector<1024x3129xf32>, vector<8x3129xf32> -> vector<8x3129xf32>
      %get3A_33 = arith.constant 0 : index
      %get3A_34 = arith.constant 0 : index
      %get3A_35 = vector.load %arg5[%get3A_33, %get3A_34] : memref<1x3129xf32, #tpu.memory_space<vmem>>, vector<1x3129xf32>
      %add3A_36 = vector.broadcast %get3A_35 : vector<1x3129xf32> to vector<8x3129xf32>
      %add3A_37 = arith.addf %dot_general3A_32, %add3A_36 : vector<8x3129xf32>
      %swap3A_38 = arith.constant 0 : index
      %swap3A_39 = arith.constant 0 : index
      %swap3A_40 = vector.load %arg6[%swap3A_38, %swap3A_39] : memref<8x3129xf32, #tpu.memory_space<vmem>>, vector<8x3129xf32>
      tpu.vector_store %arg6[%swap3A_38, %swap3A_39], %add3A_37 {strides = array<i32>} : memref<8x3129xf32, #tpu.memory_space<vmem>>, vector<8x3129xf32>,
    } else {
    }
    return
  }
  func.func @transform_0(%arg0: i32) -> (i32, i32) {
    %c0_i32 = arith.constant 0 : i32
    %c0_i32_0 = arith.constant 0 : i32
    return %c0_i32, %arg0 : i32, i32
  }
  func.func @transform_1(%arg0: i32) -> (i32, i32) {
    %c0_i32 = arith.constant 0 : i32
    %c0_i32_0 = arith.constant 0 : i32
    return %arg0, %c0_i32 : i32, i32
  }
  func.func @transform_2(%arg0: i32) -> (i32, i32) {
    %c0_i32 = arith.constant 0 : i32
    %c0_i32_0 = arith.constant 0 : i32
    %c0_i32_1 = arith.constant 0 : i32
    return %c0_i32, %c0_i32_0 : i32, i32
  }
  func.func @transform_3(%arg0: i32) -> (i32, i32) {
    %c0_i32 = arith.constant 0 : i32
    %c0_i32_0 = arith.constant 0 : i32
    %c0_i32_1 = arith.constant 0 : i32
    return %c0_i32, %c0_i32_0 : i32, i32
  }
  func.func @transform_4(%arg0: i32) -> (i32, i32) {
    %c0_i32 = arith.constant 0 : i32
    %c0_i32_0 = arith.constant 0 : i32
    %c0_i32_1 = arith.constant 0 : i32
    return %c0_i32, %c0_i32_0 : i32, i32
  }
  func.func @transform_5(%arg0: i32) -> (i32, i32) {
    %c0_i32 = arith.constant 0 : i32
    %c0_i32_0 = arith.constant 0 : i32
    %c0_i32_1 = arith.constant 0 : i32
    return %c0_i32, %c0_i32_0 : i32, i32
  }
}

</mosaic_0001>

<sc_bundles>
// kernel: kernel.10.cloned.1.call-start
scs
__scs_entry_jumppad:
0x0: {  	(pc) =	sbr.rel $0x88, $3  }
0x1: {  	(tag) =	ssettag $0x0;
	lr =	simm.s32 $0x1  }
0x2: {  	[smem:$0x3F8B] =	sst lr;
	_ =	strace $0xD0000000  }
0x3: {  	_ = 	snop  }
0x4: {  	_ = 	snop  }
0x5: {  	_ = 	snop  }
0x6: {  	_ = 	snop  }
0x7: {  	_ = 	snop  }
__scs_overlays_trampoline_lowered:
0x8: {  	[smem:$0x3F9A] =	sst s0  }
0x9: {  	[smem:$0x3F9B] =	sst s1  }
0xa: {  	[smem:$0x3F9C] =	sst s2  }
0xb: {  	[smem:$0x3F9D] =	sst s3  }
0xc: {  	[smem:$0x3F9E] =	sst s4  }
0xd: {  	[smem:$0x3F9F] =	sst s5  }
0xe: {  	[smem:$0x3FA0] =	sst s6  }
0xf: {  	[smem:$0x3FA1] =	sst s7  }
0x10: {  	[smem:$0x3FA2] =	sst s8  }
0x11: {  	[smem:$0x3FA3] =	sst s9;
	s0 =	simm.s32 @!p0 $0x0  }
0x12: {  	s1 =	sld [smem:$0x3F89];
	s0 =	simm.s32 @p0 $0x1  }
0x13: {  	[smem:$0x3FA4] =	sst s0;
	s0 =	simm.s32 @!p1 $0x0  }
0x14: {  	s2 =	sld [smem:$0x3F88];
	s0 =	simm.s32 @p1 $0x1  }
0x15: {  	[smem:$0x3FA5] =	sst s0;
	s0 =	simm.s32 @!p2 $0x0  }
0x16: {  	s3 =	sld [smem:$0x3FDB];
	s0 =	simm.s32 @p2 $0x1  }
0x17: {  	s4 =	simm.s32 $0x1BF5;
	[smem:$0x3FA7] =	sst s0  }
0x18: {  	s0 =	sld [smem:$0x3F8A];
	_ =	swait.ge [sflag:s4], $0x0  }
0x19: {  	s7 =	sld [smem:$0x3F8B]  }
0x1a: {  	s8 =	sadd.s32 $0xFFFFE003, lr  }
0x1b: {  	s9 =	sadd.s32 $0xFFFFFEF7, lr;
	s5 =	simm.s32 $0xFFFFFFFF;
	p2 =	slt.u32 s8, $0xFFFFF086  }
0x1c: {  	p1 =	slt.u32 s9, $0xF7A;
	s5 =	simm.s32 @!p2 $0x0  }
0x1d: {  	s5 =	simm.s32 @p1 $0x1;
	p0 =	seq.s32 s7, s2  }
0x1e: {  	s7 =	smul.u32 @!p0 $0xF7A, s2;
	p2 =	seq.s32 @!p0 s5, $0x0  }
0x1f: {  	s9 =	smul.u32 $0xF7A, s1;
	s8 =	simm.s32 @!p0 $0x1BF5;
	p2 =	por !p2, p0  }
0x20: {  	[sflag:s8] =	ssyncset.s32 @!p0 $0xFFFFF086;
	s6 =	sadd.s32 @!p0 s3, s7;
	s7 =	simm.s32 @!p0 $0x108  }
0x21: {  	s3 =	sadd.s32 s3, s9;
	s6 =	sadd.s32 @!p0 $0x88, s6;
	s7 =	simm.s32 @p2 $0x1082  }
0x22: {  	[simem:s7], [sflag:s8] =	dma.local @!p0 [hbm:s6], $0xF7A  }
0x23: {  	s9 =	sor.u32 $0xD0000000, s2;
	s6 =	simm.s32 $0x108;
	_ =	swait.ge @!p0 [sflag:s8], $0x0  }
0x24: {  	s3 =	sadd.s32 $0x88, s3;
	s6 =	simm.s32 @!p1 $0x1082;
	[sflag:s4] =	ssyncset.s32 $0xFFFFF086  }
0x25: {  	[simem:s6], [sflag:s4] =	dma.local [hbm:s3], $0xF7A  }
0x26: {  	[smem:$0x3F8B] =	sst s1;
	(tag) =	ssettag s2;
	_ =	strace s9  }
0x27: {  	s1 =	sld [smem:$0x3F9B]  }
0x28: {  	s2 =	sld [smem:$0x3F9C]  }
0x29: {  	s4 =	sld [smem:$0x3F9E]  }
0x2a: {  	p0 =	seq.s32 s5, $0x0;
	s5 =	sld [smem:$0x3F9F]  }
0x2b: {  	s6 =	sld [smem:$0x3FA0]  }
0x2c: {  	s7 =	sld [smem:$0x3FA1]  }
0x2d: {  	s3 =	simm.s32 $0x108;
	s8 =	sld [smem:$0x3FA2]  }
0x2e: {  	s3 =	simm.s32 @!p0 $0x1082;
	s9 =	sld [smem:$0x3FA3]  }
0x2f: {  	lr =	sadd.s32 s0, s3;
	s0 =	sld [smem:$0x3F9A]  }
0x30: {  	s3 =	sld [smem:$0x3F9D]  }
0x31: {  	[smem:$0x3FA6] =	sst s10  }
0x32: {  	s10 =	sld [smem:$0x3FA4];
	_ =	sdelay $0x3  }
0x33: {  	p0 =	seq.s32 s10, $0x1;
	s10 =	sld [smem:$0x3FA6];
	_ =	sdelay $0x3  }
0x34: {  	[smem:$0x3FA6] =	sst s10  }
0x35: {  	s10 =	sld [smem:$0x3FA5];
	_ =	sdelay $0x3  }
0x36: {  	p1 =	seq.s32 s10, $0x1;
	s10 =	sld [smem:$0x3FA6];
	_ =	sdelay $0x3  }
0x37: {  	[smem:$0x3FA6] =	sst s10  }
0x38: {  	s10 =	sld [smem:$0x3FA7]  }
0x39: {  	_ = 	snop;
	(pc) =	sbr.ind lr, $3  }
0x3a: {  	_ = 	snop  }
0x3b: {  	_ = 	snop  }
0x3c: {  	p2 =	seq.s32 s10, $0x1;
	s10 =	sld [smem:$0x3FA6]  }
0x3d: {  	_ =	shalt  }
0x3e: {  	_ =	shalt  }
0x3f: {  	_ =	shalt  }
0x40: {  	_ =	shalt  }
0x41: {  	_ =	shalt  }
0x42: {  	_ =	shalt  }
0x43: {  	_ =	shalt  }
0x44: {  	_ =	shalt  }
0x45: {  	_ =	shalt  }
0x46: {  	_ =	shalt  }
0x47: {  	_ =	shalt  }
0x48: {  	_ =	shalt  }
0x49: {  	_ =	shalt  }
0x4a: {  	_ =	shalt  }
0x4b: {  	_ =	shalt  }
0x4c: {  	_ =	shalt  }
0x4d: {  	_ =	shalt  }
0x4e: {  	_ =	shalt  }
0x4f: {  	_ =	shalt  }
0x50: {  	_ =	shalt  }
0x51: {  	_ =	shalt  }
0x52: {  	_ =	shalt  }
0x53: {  	_ =	shalt  }
0x54: {  	_ =	shalt  }
0x55: {  	_ =	shalt  }
0x56: {  	_ =	shalt  }
0x57: {  	_ =	shalt  }
0x58: {  	_ =	shalt  }
0x59: {  	_ =	shalt  }
0x5a: {  	_ =	shalt  }
0x5b: {  	_ =	shalt  }
0x5c: {  	_ =	shalt  }
0x5d: {  	_ =	shalt  }
0x5e: {  	_ =	shalt  }
0x5f: {  	_ =	shalt  }
0x60: {  	_ =	shalt  }
0x61: {  	_ =	shalt  }
0x62: {  	_ =	shalt  }
0x63: {  	_ =	shalt  }
0x64: {  	_ =	shalt  }
0x65: {  	_ =	shalt  }
0x66: {  	_ =	shalt  }
0x67: {  	_ =	shalt  }
0x68: {  	_ =	shalt  }
0x69: {  	_ =	shalt  }
0x6a: {  	_ =	shalt  }
0x6b: {  	_ =	shalt  }
0x6c: {  	_ =	shalt  }
0x6d: {  	_ =	shalt  }
0x6e: {  	_ =	shalt  }
0x6f: {  	_ =	shalt  }
0x70: {  	_ =	shalt  }
0x71: {  	_ =	shalt  }
0x72: {  	_ =	shalt  }
0x73: {  	_ =	shalt  }
0x74: {  	_ =	shalt  }
0x75: {  	_ =	shalt  }
0x76: {  	_ =	shalt  }
0x77: {  	_ =	shalt  }
0x78: {  	_ =	shalt  }
0x79: {  	_ =	shalt  }
0x7a: {  	_ =	shalt  }
0x7b: {  	_ =	shalt  }
0x7c: {  	_ =	shalt  }
0x7d: {  	_ =	shalt  }
0x7e: {  	_ =	shalt  }
0x7f: {  	_ =	shalt  }
0x80: {  	_ =	shalt  }
0x81: {  	_ =	shalt  }
0x82: {  	_ =	shalt  }
0x83: {  	_ =	shalt  }
0x84: {  	_ =	shalt  }
0x85: {  	_ =	shalt  }
0x86: {  	_ =	shalt  }
0x87: {  	_ =	shalt  }
.Lfunc_end0:
.L_simem_size_0:
called_computation_lowered:
.L_overlay_start_0:
0x88: {  	s2 =	sld [smem:$0x3FD9]  }
0x89: {  	s3 =	sld [smem:$0x3FFE];
	_ =	sdelay $0x1  }
0x8a: {  	s1 =	srdreg.scid  }
0x8b: {  	s0 =	sand.u32 $0x1, s1  }
0x8c: {  	s15 =	sshll.u32 s0, $0xA;
	s2 =	sadd.s32 s3, s2  }
0x8d: {  	s2 =	sadd.s32 s2, s15  }
0x8e: {  	[smem:$0x3FB2] =	sst s2  }
0x8f: {  	_ = 	snop  }
0x90: {  	s2 =	sld [smem:$0x3FD0];
	_ =	sdelay $0x2  }
0x91: {  	s4 =	simm.s32 $0xA;
	s5 =	simm.s32 $0x10;
	s16 =	sld [smem:$0x3FC7]  }
0x92: {  	[smem:s5], [sflag:s4] =	dma.local [hbm:s2], $0x1  }
0x93: {  	_ =	swait.eq [sflag:s4], $0x1  }
0x94: {  	[sflag:s4] =	ssyncset.done $0x0  }
0x95: {  	s17 =	sld [smem:$0x10];
	[sflag:s4] =	ssyncadd.s32 $0xFFFFFFFF  }
0x96: {  	s18 =	sld [smem:$0x11];
	(tm) =	ssettm $0x1  }
0x97: {  	s19 =	sld [smem:$0x3FFB];
	_ =	sdelay $0x3  }
0x98: {  	_ =	strace s19  }
0x99: {  	s5 =	sld [smem:$0x3FFC];
	_ =	sdelay $0x3  }
0x9a: {  	_ =	strace s5  }
0x9b: {  	s5 =	sld [smem:$0x3FFD];
	_ =	sdelay $0x3  }
0x9c: {  	_ =	strace s5  }
0x9d: {  	_ =	strace $0x8FFFFFFF  }
0x9e: {  	s20 =	sld [smem:$0x3FDB];
	_ =	sdelay $0x1  }
0x9f: {  	s6 =	simm.s32 $_scs_section_size  }
0xa0: {  	s7 =	simm.s32 $_size__tile_overlayer_lowered;
	s8 =	simm.s32 $_tile_overlayer_lowered  }
0xa1: {  	s23 =	simm.s32 $0x1BFF;
	s22 =	sshll.u32 s8, $0x1;
	s5 =	sadd.s32 s6, s20  }
0xa2: {  	s9 =	simm.s32 $0x0;
	s21 =	sshll.u32 s7, $0x1;
	s7 =	sadd.s32 s22, s5  }
0xa3: {  	[timem:s9], [sflag:s23] =	dma.local [hbm:s7], s21  }
0xa4: {  	_ =	swait.ge [sflag:s23], s21  }
0xa5: {  	s6 =	ssub.s32 $0x0, s21;
	[sflag:s23] =	ssyncset.done $0x0  }
0xa6: {  	[sflag:s23] =	ssyncadd.s32 s6;
	_ =	sdelay $0x1  }
0xa7: {  	s24 =	simm.s32 $0x1B8B  }
0xa8: {  	_ =	swait.ge [sflag:s24], $0x1  }
0xa9: {  	[sflag:s24] =	ssyncset.done $0x0  }
0xaa: {  	s25 =	simm.s32 $0x1B8E;
	[sflag:s24] =	ssyncadd.s32 $0xFFFFFFFF  }
0xab: {  	s26 =	simm.s32 $execute0_lowered;
	[smem:$0x3FD2] =	sst s25  }
0xac: {  	s6 =	sshll.u32 s26, $0x1;
	_ =	strace $0x80000046;
	[dreg:$0x1] =	wrdreg $0xFFFFFFFF  }
0xad: {  	s28 =	simm.s32 $_size_execute0_lowered;
	s5 =	sadd.s32 s5, s6;
	[dreg:$0x0] =	wrdreg $0x0  }
0xae: {  	s6 =	sshll.u32 s28, $0x1;
	[dreg:$0x2] =	wrdreg s5  }
0xaf: {  	[dreg:$0x3] =	wrdreg s6  }
0xb0: {  	[dreg:$0x4] =	wrdreg $0xC0  }
0xb1: {  	_ =	task [dreg:s9], $0x5FFFF  }
0xb2: {  	[dreg:$0x1] =	wrdreg $0xFFFFFFFF  }
0xb3: {  	[dreg:$0x0] =	wrdreg $0x60  }
0xb4: {  	[dreg:$0x2] =	wrdreg s16  }
0xb5: {  	[dreg:$0x3] =	wrdreg s17  }
0xb6: {  	[dreg:$0x4] =	wrdreg s18  }
0xb7: {  	[dreg:$0x5] =	wrdreg $0x9  }
0xb8: {  	_ =	task.clear_ibuf [dreg:s9], $0x6FFFF;
	_ =	strace $0x90000046  }
0xb9: {  	s29 =	simm.s32 $0x9;
	_ =	strace $0x80000048  }
0xba: {  	_ =	swait.ge [sflag:s29], $0x1  }
0xbb: {  	[sflag:s29] =	ssyncadd.s32 $0xFFFFFFFF  }
0xbc: {  	_ =	strace $0x90000048  }
0xbd: {  	_ =	sfence  }
0xbe: {  	s30 =	sld [smem:$0x0];
	_ =	sdelay $0x2  }
0xbf: {  	s31 =	sshll.u32 s1, $0xD;
	s1 =	sshrl.u32 s1, $0x2  }
0xc0: {  	s3 =	sand.u32 $0x4000, s31;
	s1 =	sadd.s32 s1, s30  }
0xc1: {  	s0 =	sor.u32 s3, s0;
	s1 =	sshll.u32 s1, $0x11  }
0xc2: {  	s0 =	sor.u32 s1, s0  }
0xc3: {  	s0 =	sadd.s32 $0x8F2B, s0  }
0xc4: {  	[sflag:s0] =	ssyncadd.remote.s32 $0x1  }
0xc5: {  	_ =	sfence.sel $0xFFFF  }
0xc6: {  	[dreg:$0x0] =	wrdreg $0xFFFFFFFF;
	(pc) =	sbr.abs _section_cstart, $3  }
0xc7: {  	[dreg:$0x1] =	wrdreg $0xFFFFFFFF  }
0xc8: {  	_ =	task.clear_ibuf [dreg:s9], $0x2FFFF;
	_ =	strace $0x9FFFFFFF  }
0xc9: {  	(tm) =	ssettm $0x7FFFFFFF  }
tec
execute0_lowered:
.L_overlay_start_1:
0x0: {  	(tag) =	ssettag $0x1  }
0x1: {  	s1 =	rddreg [dreg:$0x0];
	s2 =	srdreg.scid  }
0x2: {  	s4 =	rddreg [dreg:$0x1];
	s0 =	stileid.u32;
	s6 =	sand.u32 $0x1, s2  }
0x3: {  	s10 =	rddreg [dreg:$0x2];
	s5 =	sshll.u32 s0, $0x4;
	s7 =	sshll.u32 s6, $0x3  }
0x4: {  	s3 =	simm.s32 $0x0;
	s2 =	rddreg [dreg:$0x3];
	s11 =	sor.u32 s7, s5  }
0x5: {  	[smem:$0x7FF] =	sst s3;
	s5 =	sshrl.u32 s11, $0x3  }
0x6: {  	_ =	strace $0x80000047;
	s5 =	sadd.s32 s4, s5;
	s4 =	simm.s32 $0x2  }
0x7: {  	[tilespmem:s3], [sflag:$0x2] =	stream.linear.gather [hbm4b:s5+s3], $0x8, $0x38;
	[tilespmem:$0x1080] =	vst v63  }
0x8: {  	_ =	swait.ge [sflag:s4], $0x8  }
0x9: {  	[sflag:s4] =	ssyncset.done $0x0  }
0xa: {  	[sflag:s4] =	ssyncadd.s32 $0xFFFFFFF8  }
0xb: {  	v0 =	vld.msk [tilespmem:$0x0], $0xff;
	_ =	sdelay $0x4  }
0xc: {  	v1 =	vshll.u32 v0, $0x2  }
0xd: {  	v2 =	vlaneseq.u32;
	v3 =	vand.u32 $0x7, v0;
	v1 =	vand.u32 $0xFFFFFFE0, v1  }
0xe: {  	v0 =	vand.u32 $0x7, v2;
	v2 =	vshrl.u32 v2, $0x3;
	v3 =	vor.u32 v3, v1  }
0xf: {  	v1 =	vmul.u32 $0x8, v2;
	v2 =	vperm.xlane v3, v0;
	_ =	sdelay $0x1  }
0x10: {  	v2 =	vadd.s32 v1, v2;
	_ =	sdelay $0x1  }
0x11: {  	s12 =	ssub.s32 $0x2, s6  }
0x12: {  	s13 =	sshrl.u32 s12, $0x1  }
0x13: {  	vm0 =	vmmov $0xffff;
	s8 =	simm.s32 $0x880;
	s6 =	simm.s32 $0x80;
	s12 =	ssub.s32 s12, s13  }
0x14: {  	[tilespmem:s6], [sflag:$0x1] =	stream.indirect_vreg.gather [hbm4b:s1+s3], $0x80, v2, vm0, $0xb8;
	[tilespmem:$0x1080] =	vst v63  }
0x15: {  	s9 =	simm.s32 $0x1;
	s7 =	sadd.s32 $0x100, s1;
	s31 =	smax.u32 s12, $0x1  }
0x16: {  	[tilespmem:s8], [sflag:$0x1] =	stream.indirect_vreg.gather [hbm4b:s7+s3], $0x80, v2, vm0, $0xb8;
	[tilespmem:$0x1080] =	vst v63  }
0x17: {  	p0 =	sne.s32 s31, $0x1;
	_ =	swait.ge [sflag:s9], $0x1000  }
.Ltmp0:
0x18: {  	s11 =	sshll.u32 s11, $0x6;
	[sflag:s9] =	ssyncset.done $0x0;
	(pc) =	sbr.rel @!p0 .LBB2_2-.Ltmp0, $4  }
0x19: {  	s10 =	sadd.s32 s10, s11;
	[sflag:s9] =	ssyncadd.s32 $0xFFFFF000  }
0x1a: {  	[hbm4b:s10+s3] =	stream.linear.scatter [tilespmem:s6], [sflag:$0x2], $0x1000, $0x38;
	[tilespmem:$0x1080] =	vst v63  }
0x1b: {  	_ =	swait.ge [sflag:s4], $0x1000  }
0x1c: {  	s11 =	sadd.s32 $0xFFFFFFFF, s31;
	[sflag:s4] =	ssyncset.done $0x0  }
.LBB2_1:
0x1d: {  	p0 =	sne.s32 s11, $0x1;
	s11 =	sadd.s32 $0xFFFFFFFF, s11;
	[sflag:s4] =	ssyncadd.s32 $0xFFFFF000  }
0x1e: {  	[tilespmem:s3], [sflag:$0x2] =	stream.linear.gather [hbm4b:s5+s3], $0x8, $0x38;
	[tilespmem:$0x1080] =	vst v63  }
0x1f: {  	_ =	swait.ge [sflag:s4], $0x8  }
0x20: {  	[sflag:s4] =	ssyncset.done $0x0  }
0x21: {  	[sflag:s4] =	ssyncadd.s32 $0xFFFFFFF8  }
0x22: {  	v2 =	vld.msk [tilespmem:$0x0], $0xff;
	_ =	sdelay $0x4  }
0x23: {  	v3 =	vshll.u32 v2, $0x2  }
0x24: {  	v2 =	vand.u32 $0x7, v2;
	v3 =	vand.u32 $0xFFFFFFE0, v3  }
0x25: {  	v2 =	vor.u32 v2, v3  }
0x26: {  	v2 =	vperm.xlane v2, v0;
	_ =	sdelay $0x1  }
0x27: {  	v2 =	vadd.s32 v1, v2;
	_ =	sdelay $0x4  }
0x28: {  	[tilespmem:s6], [sflag:$0x1] =	stream.indirect_vreg.gather [hbm4b:s1+s3], $0x80, v2, vm0, $0xb8;
	[tilespmem:$0x1080] =	vst v63  }
0x29: {  	_ = 	snop  }
0x2a: {  	[tilespmem:s8], [sflag:$0x1] =	stream.indirect_vreg.gather [hbm4b:s7+s3], $0x80, v2, vm0, $0xb8;
	[tilespmem:$0x1080] =	vst v63  }
0x2b: {  	_ =	swait.ge [sflag:s9], $0x1000  }
.Ltmp1:
0x2c: {  	[sflag:s9] =	ssyncset.done $0x0;
	(pc) =	sbr.rel @p0 .LBB2_1-.Ltmp1, $4  }
0x2d: {  	[sflag:s9] =	ssyncadd.s32 $0xFFFFF000  }
0x2e: {  	[hbm4b:s10+s3] =	stream.linear.scatter [tilespmem:s6], [sflag:$0x2], $0x1000, $0x38;
	[tilespmem:$0x1080] =	vst v63  }
0x2f: {  	_ =	swait.ge [sflag:s4], $0x1000  }
0x30: {  	[sflag:s4] =	ssyncset.done $0x0  }
.LBB2_2:
0x31: {  	[sflag:s4] =	ssyncadd.s32 $0xFFFFF000  }
0x32: {  	_ =	sfence.sel $0x180000  }
0x33: {  	[bflag:$0x0] =	sbarrier.arrive $0xFFFF  }
0x34: {  	p0 =	sne.s32 s0, $0x0;
	_ =	strace $0x90000047  }
0x35: {  	s0 =	sadd.s32 @!p0 $0x100000, s2;
	[bflag:$0x2] =	sbarrier.arrive $0xFFFF  }
0x36: {  	[sflag:s0] =	ssyncadd.tile.s32 @!p0 $0x1;
	_ =	shalt  }
.Lfunc_end2:
_tile_overlayer_lowered:
.L_overlay_start_2:
0x37: {  	(tag) =	ssettag $0x2  }
0x38: {  	s0 =	rddreg [dreg:$0x0];
	s2 =	stileid.u32  }
0x39: {  	s1 =	rddreg [dreg:$0x1];
	p0 =	sne.s32 s2, $0x0  }
0x3a: {  	s3 =	rddreg [dreg:$0x2];
	[bflag:$0x3] =	sbarrier.arrive $0xFFFF;
	s2 =	simm.s32 @!p0 $0x1C02  }
0x3b: {  	[timem:s3], [sflag:s2] =	dma.local @!p0 [hbm:s0], s1  }
0x3c: {  	s0 =	simm.s32 @!p0 $0x2  }
0x3d: {  	_ =	swait.ge @!p0 [sflag:s0], s1  }
0x3e: {  	s1 =	ssub.s32 @!p0 $0x0, s1;
	[sflag:s0] =	ssyncset.done @!p0 $0x0  }
0x3f: {  	[sflag:s0] =	ssyncadd.s32 @!p0 s1  }
0x40: {  	[bflag:$0x3] =	sbarrier.arrive $0xFFFF  }
0x41: {  	_ =	shalt  }

</sc_bundles>
